<compile_context>
chip_gen: v7x
topology: tpu7x:2x2x1
jax: 0.10.2.dev20260603
libtpu: 0.0.44.dev20260713+nightly
codegen_flags: <defaults>
</compile_context>

<pallas_src>
import functools

import jax
import jax.numpy as jnp
from jax import lax
from jax.experimental import pallas as pl
from jax.experimental.pallas import tpu as pltpu
from jax.experimental.pallas import tpu_sc as plsc

N = 100000
E = 1600000
NH = 34
XD = 2
D = 40
HALF = 50000
ROWS_SH = 50048
TRASH = 50000
TILES = 16
EPT = E // TILES
CHUNK = 128
NFULL = EPT // CHUNK
REM = EPT - NFULL * CHUNK
ZROWS = ROWS_SH // TILES

BLK = 5000


def _pre_body(x_ref, we1, be1, we2, be2, wm1, bm1, wm2, bm2, h_ref, msg_ref):
    x = x_ref[...]
    h = jnp.maximum(jnp.dot(x, we1[...], preferred_element_type=jnp.float32)
                    + be1[...], 0.0)
    h = jnp.dot(h, we2[...], preferred_element_type=jnp.float32) + be2[...]
    h_ref[...] = h
    m = jnp.maximum(jnp.dot(h, wm1[...], preferred_element_type=jnp.float32)
                    + bm1[...], 0.0)
    m = jnp.dot(m, wm2[...], preferred_element_type=jnp.float32) + bm2[...]
    msg_ref[...] = jnp.concatenate(
        [m, jnp.ones((BLK, 1), jnp.float32), jnp.zeros((BLK, D - NH - 1), jnp.float32)],
        axis=1)


def _full(shape):
    return pl.BlockSpec(shape, lambda i: (0, 0))


_pre_call = pl.pallas_call(
    _pre_body,
    grid=(N // BLK,),
    in_specs=[
        pl.BlockSpec((BLK, XD), lambda i: (i, 0)),
        _full((XD, NH)), _full((1, NH)), _full((NH, NH)), _full((1, NH)),
        _full((NH, NH)), _full((1, NH)), _full((NH, NH)), _full((1, NH)),
    ],
    out_specs=[
        pl.BlockSpec((BLK, NH), lambda i: (i, 0)),
        pl.BlockSpec((BLK, D), lambda i: (i, 0)),
    ],
    out_shape=[
        jax.ShapeDtypeStruct((N, NH), jnp.float32),
        jax.ShapeDtypeStruct((N, D), jnp.float32),
    ],
)


_mesh = plsc.VectorSubcoreMesh(core_axis_name="c", subcore_axis_name="s")


@functools.partial(
    pl.kernel,
    mesh=_mesh,
    out_type=jax.ShapeDtypeStruct((2, ROWS_SH, D), jnp.float32),
    scratch_types=[
        pltpu.VMEM((CHUNK,), jnp.int32),
        pltpu.VMEM((CHUNK,), jnp.int32),
        pltpu.VMEM((CHUNK,), jnp.int32),
        pltpu.VMEM((CHUNK, D), jnp.float32),
        pltpu.VMEM_SHARED((ROWS_SH, D), jnp.float32),
        pltpu.SemaphoreType.DMA,
    ],
    compiler_params=pltpu.CompilerParams(use_tc_tiling_on_sc=False),
)
def _edge_pass(ei_hbm, msg_hbm, zeros_hbm, out_hbm,
               snd_v, rcv_v, ridx_v, rows_v, aggr_sh, sem):
    c = lax.axis_index("c")
    s = lax.axis_index("s")
    lo = c * HALF

    pltpu.sync_copy(zeros_hbm, aggr_sh.at[pl.ds(s * ZROWS, ZROWS)])
    plsc.subcore_barrier()

    base = s * EPT

    def do_chunk(off, first_valid):
        pltpu.sync_copy(ei_hbm.at[pl.ds(off, CHUNK)], snd_v)
        pltpu.sync_copy(ei_hbm.at[pl.ds(E + off, CHUNK)], rcv_v)
        pltpu.async_copy(msg_hbm.at[snd_v], rows_v, sem).wait()
        for j in range(CHUNK // 16):
            r = rcv_v[pl.ds(j * 16, 16)]
            ok = (r >= lo) & (r < lo + HALF)
            if first_valid is not None:
                lane = lax.iota(jnp.int32, 16) + (j * 16)
                ok = ok & (lane >= first_valid)
            ridx_v[pl.ds(j * 16, 16)] = jnp.where(ok, r - lo, TRASH)
        pltpu.sync_copy(rows_v, aggr_sh.at[ridx_v], add=True)

    def body(k, carry):
        do_chunk(base + k * CHUNK, None)
        return carry

    lax.fori_loop(0, NFULL, body, 0)
    do_chunk(base + EPT - CHUNK, CHUNK - REM)

    plsc.subcore_barrier()
    pltpu.sync_copy(aggr_sh.at[pl.ds(s * ZROWS, ZROWS)],
                    out_hbm.at[c, pl.ds(s * ZROWS, ZROWS)])


def _post_body(h_ref, a_ref, wn1, bn1, wn2, bn2, lns, lnb,
               wd1, bd1, wd2, bd2, wp1, bp1, wp2, bp2, wp3, bp3, out_ref):
    h = h_ref[...]
    a = a_ref[0]
    aggr = a[:, :NH]
    deg = a[:, NH:NH + 1]
    mean = aggr / jnp.maximum(deg, 1.0)
    u = jnp.concatenate([h, mean], axis=1)
    t = jnp.maximum(jnp.dot(u, wn1[...], preferred_element_type=jnp.float32)
                    + bn1[...], 0.0)
    t = jnp.dot(t, wn2[...], preferred_element_type=jnp.float32) + bn2[...]
    mu = jnp.mean(t, axis=1, keepdims=True)
    var = jnp.mean((t - mu) * (t - mu), axis=1, keepdims=True)
    t = (t - mu) * lax.rsqrt(var + 1e-5) * lns[...] + lnb[...]
    t = jnp.maximum(jnp.dot(t, wd1[...], preferred_element_type=jnp.float32)
                    + bd1[...], 0.0)
    t = jnp.dot(t, wd2[...], preferred_element_type=jnp.float32) + bd2[...]
    p = jnp.maximum(jnp.dot(t, wp1[...], preferred_element_type=jnp.float32)
                    + bp1[...], 0.0)
    p = jnp.maximum(jnp.dot(p, wp2[...], preferred_element_type=jnp.float32)
                    + bp2[...], 0.0)
    logits = jnp.dot(p, wp3[...], preferred_element_type=jnp.float32) + bp3[...]
    mx = jnp.max(logits, axis=1, keepdims=True)
    e = jnp.exp(logits - mx)
    out_ref[...] = e / jnp.sum(e, axis=1, keepdims=True)


_post_call = pl.pallas_call(
    _post_body,
    grid=(N // BLK,),
    in_specs=[
        pl.BlockSpec((BLK, NH), lambda i: (i, 0)),
        pl.BlockSpec((1, BLK, D), lambda i: (i // (HALF // BLK), i % (HALF // BLK), 0)),
        _full((2 * NH, NH)), _full((1, NH)), _full((NH, NH)), _full((1, NH)),
        _full((1, NH)), _full((1, NH)),
        _full((NH, NH)), _full((1, NH)), _full((NH, NH)), _full((1, NH)),
        _full((NH, NH)), _full((1, NH)), _full((NH, NH)), _full((1, NH)),
        _full((NH, 2)), _full((1, 2)),
    ],
    out_specs=pl.BlockSpec((BLK, 2), lambda i: (i, 0)),
    out_shape=jax.ShapeDtypeStruct((N, 2), jnp.float32),
)


def kernel(x, edge_index, W_enc1, b_enc1, W_enc2, b_enc2, W_msg1, b_msg1,
           W_msg2, b_msg2, W_nod1, b_nod1, W_nod2, b_nod2, ln_scale, ln_bias,
           W_dec1, b_dec1, W_dec2, b_dec2, W_p1, b_p1, W_p2, b_p2, W_p3, b_p3):
    r = lambda b: b.reshape(1, -1)
    h, msgpad = _pre_call(x, W_enc1, r(b_enc1), W_enc2, r(b_enc2),
                          W_msg1, r(b_msg1), W_msg2, r(b_msg2))
    zeros = jnp.zeros((ZROWS, D), jnp.float32)
    aggr_raw = _edge_pass(edge_index.reshape(-1), msgpad, zeros)
    return _post_call(h, aggr_raw, W_nod1, r(b_nod1), W_nod2, r(b_nod2),
                      r(ln_scale), r(ln_bias), W_dec1, r(b_dec1),
                      W_dec2, r(b_dec2), W_p1, r(b_p1), W_p2, r(b_p2),
                      W_p3, r(b_p3))

# --- scband reference (transcript-rebuilt; emitter-appended) ---
"""Pipeline reference for scband-autoregressive-graph-nn-62749472195063 (READ-ONLY COPY).

The authoritative reference and input builder live on the scoring server;
editing this copy changes nothing except your own understanding.
"""

import jax, jax.numpy as jnp
import numpy as np

N = 100000
E = 1600000
NH = 34
XD = 2

_WSHAPES = [("W_enc1", (XD, NH)), ("b_enc1", (NH,)), ("W_enc2", (NH, NH)), ("b_enc2", (NH,)), ("W_msg1", (NH, NH)), ("b_msg1", (NH,)), ("W_msg2", (NH, NH)), ("b_msg2", (NH,)), ("W_nod1", (2 * NH, NH)), ("b_nod1", (NH,)), ("W_nod2", (NH, NH)), ("b_nod2", (NH,)), ("ln_scale", (NH,)), ("ln_bias", (NH,)), ("W_dec1", (NH, NH)), ("b_dec1", (NH,)), ("W_dec2", (NH, NH)), ("b_dec2", (NH,)), ("W_p1", (NH, NH)), ("b_p1", (NH,)), ("W_p2", (NH, NH)), ("b_p2", (NH,)), ("W_p3", (NH, 2)), ("b_p3", (2,))]


def setup_inputs(seed: int = 0):
    key = jax.random.key(seed)
    inp = {}
    inp["x"] = jax.random.normal(jax.random.fold_in(key, 0), (N, XD), dtype=jnp.float32)
    inp["edge_index"] = jax.random.randint(jax.random.fold_in(key, 1), (2, E), 0, N, dtype=jnp.int32)
    for i, (name, shape) in enumerate(_WSHAPES):
        k = jax.random.fold_in(key, 10 + i)
        if name.startswith("b_") or name == "ln_bias":
            inp[name] = jnp.zeros(shape, jnp.float32)
        elif name == "ln_scale":
            inp[name] = jnp.ones(shape, jnp.float32)
        else:
            inp[name] = jax.random.normal(k, shape, dtype=jnp.float32) * (1.0 / np.sqrt(shape[0]))
    return inp


def _forward(x, W_enc1, b_enc1, W_enc2, b_enc2, W_msg1, b_msg1, W_msg2, b_msg2, W_nod1, b_nod1, W_nod2, b_nod2, ln_scale, ln_bias, W_dec1, b_dec1, W_dec2, b_dec2, W_p1, b_p1, W_p2, b_p2, W_p3, b_p3, edge_index):
    senders = edge_index[0]
    receivers = edge_index[1]
    n = x.shape[0]
    # Encode MLP [nh, nh]
    h = jax.nn.relu(x @ W_enc1 + b_enc1)
    h = h @ W_enc2 + b_enc2
    # Process: n_message_passes passes, linear message passing (sender features only,
    # edge_updates=False), mean aggregation, graph norm (layer norm on node state)
    for _ in range(1):
        m = jax.nn.relu(h[senders] @ W_msg1 + b_msg1)
        m = m @ W_msg2 + b_msg2
        deg = jax.ops.segment_sum(jnp.ones((m.shape[0],), jnp.float32), receivers, num_segments=n)
        aggr = jax.ops.segment_sum(m, receivers, num_segments=n)
        aggr = aggr / jnp.clip(deg, 1.0, None)[:, None]
        u = jnp.concatenate([h, aggr], axis=-1)
        h = jax.nn.relu(u @ W_nod1 + b_nod1)
        h = h @ W_nod2 + b_nod2
        mu = jnp.mean(h, axis=-1, keepdims=True)
        var = jnp.var(h, axis=-1, keepdims=True)
        h = (h - mu) / jnp.sqrt(var + 1e-5) * ln_scale + ln_bias
    # Decode MLP [nh, nh]
    h = jax.nn.relu(h @ W_dec1 + b_dec1)
    h = h @ W_dec2 + b_dec2
    # ProbMLP [nh, nh, 2] + softmax -> out_probs
    p = jax.nn.relu(h @ W_p1 + b_p1)
    p = jax.nn.relu(p @ W_p2 + b_p2)
    logits = p @ W_p3 + b_p3
    return jax.nn.softmax(logits, axis=-1)


def reference(x, edge_index, W_enc1, b_enc1, W_enc2, b_enc2, W_msg1, b_msg1, W_msg2, b_msg2, W_nod1, b_nod1, W_nod2, b_nod2, ln_scale, ln_bias, W_dec1, b_dec1, W_dec2, b_dec2, W_p1, b_p1, W_p2, b_p2, W_p3, b_p3):
    return _forward(x, W_enc1, b_enc1, W_enc2, b_enc2, W_msg1, b_msg1, W_msg2, b_msg2, W_nod1, b_nod1, W_nod2, b_nod2, ln_scale, ln_bias, W_dec1, b_dec1, W_dec2, b_dec2, W_p1, b_p1, W_p2, b_p2, W_p3, b_p3, edge_index)

if __name__ == "__main__":
    import jax
    _d = setup_inputs()
    print(jax.jit(kernel)(*tuple(_d.values())))

</pallas_src>

<mosaic_0001>
#map = affine_map<(d0, d1) -> (0)>
#map1 = affine_map<(d0, d1) -> (0, 0)>
#map2 = affine_map<(d0, d1) -> (0, 0, 0)>
module attributes {stable_mosaic.version = 14 : i64} {
  func.func @_edge_pass(%arg0: i32, %arg1: i32, %arg2: memref<3200000xi32, #tpu.memory_space<hbm>>, %arg3: memref<100000x40xf32, #tpu.memory_space<hbm>>, %arg4: memref<3128x40xf32, #tpu.memory_space<hbm>>, %arg5: memref<2x50048x40xf32, #tpu.memory_space<hbm>>, %arg6: memref<128xi32, #tpu.memory_space<vmem>>, %arg7: memref<128xi32, #tpu.memory_space<vmem>>, %arg8: memref<128xi32, #tpu.memory_space<vmem>>, %arg9: memref<128x40xf32, #tpu.memory_space<vmem>>, %arg10: memref<50048x40xf32, #tpu.memory_space<vmem_shared>>, %arg11: memref<!tpu.dma_semaphore, #tpu.memory_space<semaphore_mem>>) attributes {dimension_semantics = [#tpu.dimension_semantics<core_parallel>, #tpu.dimension_semantics<subcore_parallel>], iteration_bounds = array<i64: 2, 16>, scalar_prefetch = 0 : i64, scratch_operands = 6 : i64, tpu.core_type = #tpu.core_type<sc_vector_subcore>, window_params = [{transform_indices = #map}, {transform_indices = #map1}, {transform_indices = #map1}, {transform_indices = #map2}]} {
    %mul3A = arith.constant 50000 : i32
    %mul3A_0 = arith.muli %arg0, %mul3A : i32
    %mul3A_1 = arith.constant 3128 : i32
    %mul3A_2 = arith.muli %arg1, %mul3A_1 : i32
    "tpu.region"() ({
      %run_scoped3A = tpu.sem_alloc : memref<!tpu.dma_semaphore, #tpu.memory_space<semaphore_mem>>
      %dma_start3A_230 = arith.constant 0 : i32
      %dma_start3A_231 = tpu.memref_slice %arg10[%mul3A_2, %dma_start3A_230] : memref<50048x40xf32, #tpu.memory_space<vmem_shared>> -> memref<3128x40xf32, #tpu.memory_space<vmem_shared>>
      tpu.enqueue_dma source(%arg4 : memref<3128x40xf32, #tpu.memory_space<hbm>>) target(%dma_start3A_231 : memref<3128x40xf32, #tpu.memory_space<vmem_shared>>) target_semaphore(%run_scoped3A : memref<!tpu.dma_semaphore, #tpu.memory_space<semaphore_mem>>)
      %dma_wait3A_232 = arith.constant 0 : i32
      %dma_wait3A_233 = tpu.memref_slice %arg10[%mul3A_2, %dma_wait3A_232] : memref<50048x40xf32, #tpu.memory_space<vmem_shared>> -> memref<3128x40xf32, #tpu.memory_space<vmem_shared>>
      tpu.wait_dma2 semaphore(%run_scoped3A : memref<!tpu.dma_semaphore, #tpu.memory_space<semaphore_mem>>) src(%arg4 : memref<3128x40xf32, #tpu.memory_space<hbm>>) dst(%dma_wait3A_233 : memref<3128x40xf32, #tpu.memory_space<vmem_shared>>)
      tpu.yield
    }) : () -> ()
    %barrier3A = arith.constant 0 : index
    tpu.barrier barrier_id(%barrier3A)
    %mul3A_3 = arith.constant 100000 : i32
    %mul3A_4 = arith.muli %arg1, %mul3A_3 : i32
    %scan3A = arith.constant 0 : i32
    %scan3A_5 = arith.constant 0 : i32
    %scan3A_6 = arith.constant 781 : i32
    %scan3A_7 = arith.addi %scan3A_5, %scan3A_6 : i32
    %scan3A_8 = arith.constant 1 : i32
    scf.for %scan3A_230 = %scan3A_5 to %scan3A_7 step %scan3A_8  : i32 {
      %mul3A_231 = arith.constant 128 : i32
      %mul3A_232 = arith.muli %scan3A_230, %mul3A_231 : i32
      %add3A_233 = arith.addi %mul3A_4, %mul3A_232 : i32
      "tpu.region"() ({
        %run_scoped3A = tpu.sem_alloc : memref<!tpu.dma_semaphore, #tpu.memory_space<semaphore_mem>>
        %dma_start3A_394 = tpu.memref_slice %arg2[%add3A_233] : memref<3200000xi32, #tpu.memory_space<hbm>> -> memref<128xi32, #tpu.memory_space<hbm>>
        %dma_start3A_395 = tpu.memref_slice %arg2[%add3A_233] : memref<3200000xi32, #tpu.memory_space<hbm>> -> memref<128xi32, #tpu.memory_space<hbm>>
        tpu.enqueue_dma source(%dma_start3A_395 : memref<128xi32, #tpu.memory_space<hbm>>) target(%arg6 : memref<128xi32, #tpu.memory_space<vmem>>) target_semaphore(%run_scoped3A : memref<!tpu.dma_semaphore, #tpu.memory_space<semaphore_mem>>)
        %dma_wait3A_396 = tpu.memref_slice %arg2[%add3A_233] : memref<3200000xi32, #tpu.memory_space<hbm>> -> memref<128xi32, #tpu.memory_space<hbm>>
        %dma_wait3A_397 = tpu.memref_slice %arg2[%add3A_233] : memref<3200000xi32, #tpu.memory_space<hbm>> -> memref<128xi32, #tpu.memory_space<hbm>>
        tpu.wait_dma2 semaphore(%run_scoped3A : memref<!tpu.dma_semaphore, #tpu.memory_space<semaphore_mem>>) src(%dma_wait3A_397 : memref<128xi32, #tpu.memory_space<hbm>>) dst(%arg6 : memref<128xi32, #tpu.memory_space<vmem>>)
        tpu.yield
      }) : () -> ()
      %add3A_234 = arith.constant 1600000 : i32
      %add3A_235 = arith.addi %add3A_234, %add3A_233 : i32
      "tpu.region"() ({
        %run_scoped3A = tpu.sem_alloc : memref<!tpu.dma_semaphore, #tpu.memory_space<semaphore_mem>>
        %dma_start3A_394 = tpu.memref_slice %arg2[%add3A_235] : memref<3200000xi32, #tpu.memory_space<hbm>> -> memref<128xi32, #tpu.memory_space<hbm>>
        %dma_start3A_395 = tpu.memref_slice %arg2[%add3A_235] : memref<3200000xi32, #tpu.memory_space<hbm>> -> memref<128xi32, #tpu.memory_space<hbm>>
        tpu.enqueue_dma source(%dma_start3A_395 : memref<128xi32, #tpu.memory_space<hbm>>) target(%arg7 : memref<128xi32, #tpu.memory_space<vmem>>) target_semaphore(%run_scoped3A : memref<!tpu.dma_semaphore, #tpu.memory_space<semaphore_mem>>)
        %dma_wait3A_396 = tpu.memref_slice %arg2[%add3A_235] : memref<3200000xi32, #tpu.memory_space<hbm>> -> memref<128xi32, #tpu.memory_space<hbm>>
        %dma_wait3A_397 = tpu.memref_slice %arg2[%add3A_235] : memref<3200000xi32, #tpu.memory_space<hbm>> -> memref<128xi32, #tpu.memory_space<hbm>>
        tpu.wait_dma2 semaphore(%run_scoped3A : memref<!tpu.dma_semaphore, #tpu.memory_space<semaphore_mem>>) src(%dma_wait3A_397 : memref<128xi32, #tpu.memory_space<hbm>>) dst(%arg7 : memref<128xi32, #tpu.memory_space<vmem>>)
        tpu.yield
      }) : () -> ()
      %dma_start3A_236 = arith.constant 0 : i32
      %dma_start3A_237 = arith.constant 0 : i32
      %dma_start3A_238 = tpu.memref_slice %arg3[%dma_start3A_236, %dma_start3A_237] : memref<100000x40xf32, #tpu.memory_space<hbm>> -> memref<100000x40xf32, #tpu.memory_space<hbm>>
      tpu.enqueue_indirect_dma source(%dma_start3A_238 : memref<100000x40xf32, #tpu.memory_space<hbm>>) target(%arg9 : memref<128x40xf32, #tpu.memory_space<vmem>>) offsets(%arg6 : memref<128xi32, #tpu.memory_space<vmem>>) semaphore(%arg11 : memref<!tpu.dma_semaphore, #tpu.memory_space<semaphore_mem>>)
      %dma_wait3A_239 = arith.constant 0 : i32
      %dma_wait3A_240 = arith.constant 0 : i32
      %dma_wait3A_241 = tpu.memref_slice %arg3[%dma_wait3A_239, %dma_wait3A_240] : memref<100000x40xf32, #tpu.memory_space<hbm>> -> memref<100000x40xf32, #tpu.memory_space<hbm>>
      tpu.wait_indirect_dma semaphore(%arg11 : memref<!tpu.dma_semaphore, #tpu.memory_space<semaphore_mem>>) src(%dma_wait3A_241 : memref<100000x40xf32, #tpu.memory_space<hbm>>) dst(%arg9 : memref<128x40xf32, #tpu.memory_space<vmem>>)
      %get3A_242 = arith.constant 0 : index
      %get3A_243 = tpu.vector_load %arg7[%get3A_242] {strides = array<i32>} : memref<128xi32, #tpu.memory_space<vmem>>, vector<16xi32>,
      %get3A_244 = vector.shape_cast %get3A_243 : vector<16xi32> to vector<16xi32>
      %ge3A_245 = vector.broadcast %mul3A_0 : i32 to vector<16xi32>
      %ge3A_246 = arith.cmpi sge, %get3A_244, %ge3A_245 : vector<16xi32>
      %add3A_247 = arith.constant 50000 : i32
      %add3A_248 = arith.addi %mul3A_0, %add3A_247 : i32
      %lt3A_249 = vector.broadcast %add3A_248 : i32 to vector<16xi32>
      %lt3A_250 = arith.cmpi slt, %get3A_244, %lt3A_249 : vector<16xi32>
      %and3A_251 = arith.andi %ge3A_246, %lt3A_250 : vector<16xi1>
      %sub3A_252 = vector.broadcast %mul3A_0 : i32 to vector<16xi32>
      %sub3A_253 = arith.subi %get3A_244, %sub3A_252 : vector<16xi32>
      %jit3A_254 = arith.constant 50000 : i32
      %broadcast_in_dim3A_255 = vector.broadcast %jit3A_254 : i32 to vector<16xi32>
      %select_n3A_256 = arith.select %and3A_251, %sub3A_253, %broadcast_in_dim3A_255 : vector<16xi1>, vector<16xi32>
      %swap3A_257 = arith.constant 0 : index
      %swap3A_258 = tpu.vector_load %arg8[%swap3A_257] {strides = array<i32>} : memref<128xi32, #tpu.memory_space<vmem>>, vector<16xi32>,
      %swap3A_259 = vector.shape_cast %swap3A_258 : vector<16xi32> to vector<16xi32>
      %swap3A_260 = vector.shape_cast %select_n3A_256 : vector<16xi32> to vector<16xi32>
      tpu.vector_store %arg8[%swap3A_257], %swap3A_260 {strides = array<i32>} : memref<128xi32, #tpu.memory_space<vmem>>, vector<16xi32>,
      %get3A_261 = arith.constant 16 : index
      %get3A_262 = tpu.vector_load %arg7[%get3A_261] {strides = array<i32>} : memref<128xi32, #tpu.memory_space<vmem>>, vector<16xi32>,
      %get3A_263 = vector.shape_cast %get3A_262 : vector<16xi32> to vector<16xi32>
      %ge3A_264 = vector.broadcast %mul3A_0 : i32 to vector<16xi32>
      %ge3A_265 = arith.cmpi sge, %get3A_263, %ge3A_264 : vector<16xi32>
      %add3A_266 = arith.constant 50000 : i32
      %add3A_267 = arith.addi %mul3A_0, %add3A_266 : i32
      %lt3A_268 = vector.broadcast %add3A_267 : i32 to vector<16xi32>
      %lt3A_269 = arith.cmpi slt, %get3A_263, %lt3A_268 : vector<16xi32>
      %and3A_270 = arith.andi %ge3A_265, %lt3A_269 : vector<16xi1>
      %sub3A_271 = vector.broadcast %mul3A_0 : i32 to vector<16xi32>
      %sub3A_272 = arith.subi %get3A_263, %sub3A_271 : vector<16xi32>
      %jit3A_273 = arith.constant 50000 : i32
      %broadcast_in_dim3A_274 = vector.broadcast %jit3A_273 : i32 to vector<16xi32>
      %select_n3A_275 = arith.select %and3A_270, %sub3A_272, %broadcast_in_dim3A_274 : vector<16xi1>, vector<16xi32>
      %swap3A_276 = arith.constant 16 : index
      %swap3A_277 = tpu.vector_load %arg8[%swap3A_276] {strides = array<i32>} : memref<128xi32, #tpu.memory_space<vmem>>, vector<16xi32>,
      %swap3A_278 = vector.shape_cast %swap3A_277 : vector<16xi32> to vector<16xi32>
      %swap3A_279 = vector.shape_cast %select_n3A_275 : vector<16xi32> to vector<16xi32>
      tpu.vector_store %arg8[%swap3A_276], %swap3A_279 {strides = array<i32>} : memref<128xi32, #tpu.memory_space<vmem>>, vector<16xi32>,
      %get3A_280 = arith.constant 32 : index
      %get3A_281 = tpu.vector_load %arg7[%get3A_280] {strides = array<i32>} : memref<128xi32, #tpu.memory_space<vmem>>, vector<16xi32>,
      %get3A_282 = vector.shape_cast %get3A_281 : vector<16xi32> to vector<16xi32>
      %ge3A_283 = vector.broadcast %mul3A_0 : i32 to vector<16xi32>
      %ge3A_284 = arith.cmpi sge, %get3A_282, %ge3A_283 : vector<16xi32>
      %add3A_285 = arith.constant 50000 : i32
      %add3A_286 = arith.addi %mul3A_0, %add3A_285 : i32
      %lt3A_287 = vector.broadcast %add3A_286 : i32 to vector<16xi32>
      %lt3A_288 = arith.cmpi slt, %get3A_282, %lt3A_287 : vector<16xi32>
      %and3A_289 = arith.andi %ge3A_284, %lt3A_288 : vector<16xi1>
      %sub3A_290 = vector.broadcast %mul3A_0 : i32 to vector<16xi32>
      %sub3A_291 = arith.subi %get3A_282, %sub3A_290 : vector<16xi32>
      %jit3A_292 = arith.constant 50000 : i32
      %broadcast_in_dim3A_293 = vector.broadcast %jit3A_292 : i32 to vector<16xi32>
      %select_n3A_294 = arith.select %and3A_289, %sub3A_291, %broadcast_in_dim3A_293 : vector<16xi1>, vector<16xi32>
      %swap3A_295 = arith.constant 32 : index
      %swap3A_296 = tpu.vector_load %arg8[%swap3A_295] {strides = array<i32>} : memref<128xi32, #tpu.memory_space<vmem>>, vector<16xi32>,
      %swap3A_297 = vector.shape_cast %swap3A_296 : vector<16xi32> to vector<16xi32>
      %swap3A_298 = vector.shape_cast %select_n3A_294 : vector<16xi32> to vector<16xi32>
      tpu.vector_store %arg8[%swap3A_295], %swap3A_298 {strides = array<i32>} : memref<128xi32, #tpu.memory_space<vmem>>, vector<16xi32>,
      %get3A_299 = arith.constant 48 : index
      %get3A_300 = tpu.vector_load %arg7[%get3A_299] {strides = array<i32>} : memref<128xi32, #tpu.memory_space<vmem>>, vector<16xi32>,
      %get3A_301 = vector.shape_cast %get3A_300 : vector<16xi32> to vector<16xi32>
      %ge3A_302 = vector.broadcast %mul3A_0 : i32 to vector<16xi32>
      %ge3A_303 = arith.cmpi sge, %get3A_301, %ge3A_302 : vector<16xi32>
      %add3A_304 = arith.constant 50000 : i32
      %add3A_305 = arith.addi %mul3A_0, %add3A_304 : i32
      %lt3A_306 = vector.broadcast %add3A_305 : i32 to vector<16xi32>
      %lt3A_307 = arith.cmpi slt, %get3A_301, %lt3A_306 : vector<16xi32>
      %and3A_308 = arith.andi %ge3A_303, %lt3A_307 : vector<16xi1>
      %sub3A_309 = vector.broadcast %mul3A_0 : i32 to vector<16xi32>
      %sub3A_310 = arith.subi %get3A_301, %sub3A_309 : vector<16xi32>
      %jit3A_311 = arith.constant 50000 : i32
      %broadcast_in_dim3A_312 = vector.broadcast %jit3A_311 : i32 to vector<16xi32>
      %select_n3A_313 = arith.select %and3A_308, %sub3A_310, %broadcast_in_dim3A_312 : vector<16xi1>, vector<16xi32>
      %swap3A_314 = arith.constant 48 : index
      %swap3A_315 = tpu.vector_load %arg8[%swap3A_314] {strides = array<i32>} : memref<128xi32, #tpu.memory_space<vmem>>, vector<16xi32>,
      %swap3A_316 = vector.shape_cast %swap3A_315 : vector<16xi32> to vector<16xi32>
      %swap3A_317 = vector.shape_cast %select_n3A_313 : vector<16xi32> to vector<16xi32>
      tpu.vector_store %arg8[%swap3A_314], %swap3A_317 {strides = array<i32>} : memref<128xi32, #tpu.memory_space<vmem>>, vector<16xi32>,
      %get3A_318 = arith.constant 64 : index
      %get3A_319 = tpu.vector_load %arg7[%get3A_318] {strides = array<i32>} : memref<128xi32, #tpu.memory_space<vmem>>, vector<16xi32>,
      %get3A_320 = vector.shape_cast %get3A_319 : vector<16xi32> to vector<16xi32>
      %ge3A_321 = vector.broadcast %mul3A_0 : i32 to vector<16xi32>
      %ge3A_322 = arith.cmpi sge, %get3A_320, %ge3A_321 : vector<16xi32>
      %add3A_323 = arith.constant 50000 : i32
      %add3A_324 = arith.addi %mul3A_0, %add3A_323 : i32
      %lt3A_325 = vector.broadcast %add3A_324 : i32 to vector<16xi32>
      %lt3A_326 = arith.cmpi slt, %get3A_320, %lt3A_325 : vector<16xi32>
      %and3A_327 = arith.andi %ge3A_322, %lt3A_326 : vector<16xi1>
      %sub3A_328 = vector.broadcast %mul3A_0 : i32 to vector<16xi32>
      %sub3A_329 = arith.subi %get3A_320, %sub3A_328 : vector<16xi32>
      %jit3A_330 = arith.constant 50000 : i32
      %broadcast_in_dim3A_331 = vector.broadcast %jit3A_330 : i32 to vector<16xi32>
      %select_n3A_332 = arith.select %and3A_327, %sub3A_329, %broadcast_in_dim3A_331 : vector<16xi1>, vector<16xi32>
      %swap3A_333 = arith.constant 64 : index
      %swap3A_334 = tpu.vector_load %arg8[%swap3A_333] {strides = array<i32>} : memref<128xi32, #tpu.memory_space<vmem>>, vector<16xi32>,
      %swap3A_335 = vector.shape_cast %swap3A_334 : vector<16xi32> to vector<16xi32>
      %swap3A_336 = vector.shape_cast %select_n3A_332 : vector<16xi32> to vector<16xi32>
      tpu.vector_store %arg8[%swap3A_333], %swap3A_336 {strides = array<i32>} : memref<128xi32, #tpu.memory_space<vmem>>, vector<16xi32>,
      %get3A_337 = arith.constant 80 : index
      %get3A_338 = tpu.vector_load %arg7[%get3A_337] {strides = array<i32>} : memref<128xi32, #tpu.memory_space<vmem>>, vector<16xi32>,
      %get3A_339 = vector.shape_cast %get3A_338 : vector<16xi32> to vector<16xi32>
      %ge3A_340 = vector.broadcast %mul3A_0 : i32 to vector<16xi32>
      %ge3A_341 = arith.cmpi sge, %get3A_339, %ge3A_340 : vector<16xi32>
      %add3A_342 = arith.constant 50000 : i32
      %add3A_343 = arith.addi %mul3A_0, %add3A_342 : i32
      %lt3A_344 = vector.broadcast %add3A_343 : i32 to vector<16xi32>
      %lt3A_345 = arith.cmpi slt, %get3A_339, %lt3A_344 : vector<16xi32>
      %and3A_346 = arith.andi %ge3A_341, %lt3A_345 : vector<16xi1>
      %sub3A_347 = vector.broadcast %mul3A_0 : i32 to vector<16xi32>
      %sub3A_348 = arith.subi %get3A_339, %sub3A_347 : vector<16xi32>
      %jit3A_349 = arith.constant 50000 : i32
      %broadcast_in_dim3A_350 = vector.broadcast %jit3A_349 : i32 to vector<16xi32>
      %select_n3A_351 = arith.select %and3A_346, %sub3A_348, %broadcast_in_dim3A_350 : vector<16xi1>, vector<16xi32>
      %swap3A_352 = arith.constant 80 : index
      %swap3A_353 = tpu.vector_load %arg8[%swap3A_352] {strides = array<i32>} : memref<128xi32, #tpu.memory_space<vmem>>, vector<16xi32>,
      %swap3A_354 = vector.shape_cast %swap3A_353 : vector<16xi32> to vector<16xi32>
      %swap3A_355 = vector.shape_cast %select_n3A_351 : vector<16xi32> to vector<16xi32>
      tpu.vector_store %arg8[%swap3A_352], %swap3A_355 {strides = array<i32>} : memref<128xi32, #tpu.memory_space<vmem>>, vector<16xi32>,
      %get3A_356 = arith.constant 96 : index
      %get3A_357 = tpu.vector_load %arg7[%get3A_356] {strides = array<i32>} : memref<128xi32, #tpu.memory_space<vmem>>, vector<16xi32>,
      %get3A_358 = vector.shape_cast %get3A_357 : vector<16xi32> to vector<16xi32>
      %ge3A_359 = vector.broadcast %mul3A_0 : i32 to vector<16xi32>
      %ge3A_360 = arith.cmpi sge, %get3A_358, %ge3A_359 : vector<16xi32>
      %add3A_361 = arith.constant 50000 : i32
      %add3A_362 = arith.addi %mul3A_0, %add3A_361 : i32
      %lt3A_363 = vector.broadcast %add3A_362 : i32 to vector<16xi32>
      %lt3A_364 = arith.cmpi slt, %get3A_358, %lt3A_363 : vector<16xi32>
      %and3A_365 = arith.andi %ge3A_360, %lt3A_364 : vector<16xi1>
      %sub3A_366 = vector.broadcast %mul3A_0 : i32 to vector<16xi32>
      %sub3A_367 = arith.subi %get3A_358, %sub3A_366 : vector<16xi32>
      %jit3A_368 = arith.constant 50000 : i32
      %broadcast_in_dim3A_369 = vector.broadcast %jit3A_368 : i32 to vector<16xi32>
      %select_n3A_370 = arith.select %and3A_365, %sub3A_367, %broadcast_in_dim3A_369 : vector<16xi1>, vector<16xi32>
      %swap3A_371 = arith.constant 96 : index
      %swap3A_372 = tpu.vector_load %arg8[%swap3A_371] {strides = array<i32>} : memref<128xi32, #tpu.memory_space<vmem>>, vector<16xi32>,
      %swap3A_373 = vector.shape_cast %swap3A_372 : vector<16xi32> to vector<16xi32>
      %swap3A_374 = vector.shape_cast %select_n3A_370 : vector<16xi32> to vector<16xi32>
      tpu.vector_store %arg8[%swap3A_371], %swap3A_374 {strides = array<i32>} : memref<128xi32, #tpu.memory_space<vmem>>, vector<16xi32>,
      %get3A_375 = arith.constant 112 : index
      %get3A_376 = tpu.vector_load %arg7[%get3A_375] {strides = array<i32>} : memref<128xi32, #tpu.memory_space<vmem>>, vector<16xi32>,
      %get3A_377 = vector.shape_cast %get3A_376 : vector<16xi32> to vector<16xi32>
      %ge3A_378 = vector.broadcast %mul3A_0 : i32 to vector<16xi32>
      %ge3A_379 = arith.cmpi sge, %get3A_377, %ge3A_378 : vector<16xi32>
      %add3A_380 = arith.constant 50000 : i32
      %add3A_381 = arith.addi %mul3A_0, %add3A_380 : i32
      %lt3A_382 = vector.broadcast %add3A_381 : i32 to vector<16xi32>
      %lt3A_383 = arith.cmpi slt, %get3A_377, %lt3A_382 : vector<16xi32>
      %and3A_384 = arith.andi %ge3A_379, %lt3A_383 : vector<16xi1>
      %sub3A_385 = vector.broadcast %mul3A_0 : i32 to vector<16xi32>
      %sub3A_386 = arith.subi %get3A_377, %sub3A_385 : vector<16xi32>
      %jit3A_387 = arith.constant 50000 : i32
      %broadcast_in_dim3A_388 = vector.broadcast %jit3A_387 : i32 to vector<16xi32>
      %select_n3A_389 = arith.select %and3A_384, %sub3A_386, %broadcast_in_dim3A_388 : vector<16xi1>, vector<16xi32>
      %swap3A_390 = arith.constant 112 : index
      %swap3A_391 = tpu.vector_load %arg8[%swap3A_390] {strides = array<i32>} : memref<128xi32, #tpu.memory_space<vmem>>, vector<16xi32>,
      %swap3A_392 = vector.shape_cast %swap3A_391 : vector<16xi32> to vector<16xi32>
      %swap3A_393 = vector.shape_cast %select_n3A_389 : vector<16xi32> to vector<16xi32>
      tpu.vector_store %arg8[%swap3A_390], %swap3A_393 {strides = array<i32>} : memref<128xi32, #tpu.memory_space<vmem>>, vector<16xi32>,
      "tpu.region"() ({
        %run_scoped3A = tpu.sem_alloc : memref<!tpu.dma_semaphore, #tpu.memory_space<semaphore_mem>>
        %dma_start3A_394 = arith.constant 0 : i32
        %dma_start3A_395 = arith.constant 0 : i32
        %dma_start3A_396 = tpu.memref_slice %arg10[%dma_start3A_394, %dma_start3A_395] : memref<50048x40xf32, #tpu.memory_space<vmem_shared>> -> memref<50048x40xf32, #tpu.memory_space<vmem_shared>>
        tpu.enqueue_indirect_dma source(%arg9 : memref<128x40xf32, #tpu.memory_space<vmem>>) target(%dma_start3A_396 : memref<50048x40xf32, #tpu.memory_space<vmem_shared>>) offsets(%arg8 : memref<128xi32, #tpu.memory_space<vmem>>) semaphore(%run_scoped3A : memref<!tpu.dma_semaphore, #tpu.memory_space<semaphore_mem>>) {add = true}
        %dma_wait3A_397 = arith.constant 0 : i32
        %dma_wait3A_398 = arith.constant 0 : i32
        %dma_wait3A_399 = tpu.memref_slice %arg10[%dma_wait3A_397, %dma_wait3A_398] : memref<50048x40xf32, #tpu.memory_space<vmem_shared>> -> memref<50048x40xf32, #tpu.memory_space<vmem_shared>>
        tpu.wait_indirect_dma semaphore(%run_scoped3A : memref<!tpu.dma_semaphore, #tpu.memory_space<semaphore_mem>>) src(%arg9 : memref<128x40xf32, #tpu.memory_space<vmem>>) dst(%dma_wait3A_399 : memref<50048x40xf32, #tpu.memory_space<vmem_shared>>)
        tpu.yield
      }) : () -> ()
    }
    %scan3A_9 = arith.constant 781 : i32
    %add3A = arith.constant 100000 : i32
    %add3A_10 = arith.addi %mul3A_4, %add3A : i32
    %sub3A = arith.constant 128 : i32
    %sub3A_11 = arith.subi %add3A_10, %sub3A : i32
    "tpu.region"() ({
      %run_scoped3A = tpu.sem_alloc : memref<!tpu.dma_semaphore, #tpu.memory_space<semaphore_mem>>
      %dma_start3A_230 = tpu.memref_slice %arg2[%sub3A_11] : memref<3200000xi32, #tpu.memory_space<hbm>> -> memref<128xi32, #tpu.memory_space<hbm>>
      %dma_start3A_231 = tpu.memref_slice %arg2[%sub3A_11] : memref<3200000xi32, #tpu.memory_space<hbm>> -> memref<128xi32, #tpu.memory_space<hbm>>
      tpu.enqueue_dma source(%dma_start3A_231 : memref<128xi32, #tpu.memory_space<hbm>>) target(%arg6 : memref<128xi32, #tpu.memory_space<vmem>>) target_semaphore(%run_scoped3A : memref<!tpu.dma_semaphore, #tpu.memory_space<semaphore_mem>>)
      %dma_wait3A_232 = tpu.memref_slice %arg2[%sub3A_11] : memref<3200000xi32, #tpu.memory_space<hbm>> -> memref<128xi32, #tpu.memory_space<hbm>>
      %dma_wait3A_233 = tpu.memref_slice %arg2[%sub3A_11] : memref<3200000xi32, #tpu.memory_space<hbm>> -> memref<128xi32, #tpu.memory_space<hbm>>
      tpu.wait_dma2 semaphore(%run_scoped3A : memref<!tpu.dma_semaphore, #tpu.memory_space<semaphore_mem>>) src(%dma_wait3A_233 : memref<128xi32, #tpu.memory_space<hbm>>) dst(%arg6 : memref<128xi32, #tpu.memory_space<vmem>>)
      tpu.yield
    }) : () -> ()
    %add3A_12 = arith.constant 1600000 : i32
    %add3A_13 = arith.addi %add3A_12, %sub3A_11 : i32
    "tpu.region"() ({
      %run_scoped3A = tpu.sem_alloc : memref<!tpu.dma_semaphore, #tpu.memory_space<semaphore_mem>>
      %dma_start3A_230 = tpu.memref_slice %arg2[%add3A_13] : memref<3200000xi32, #tpu.memory_space<hbm>> -> memref<128xi32, #tpu.memory_space<hbm>>
      %dma_start3A_231 = tpu.memref_slice %arg2[%add3A_13] : memref<3200000xi32, #tpu.memory_space<hbm>> -> memref<128xi32, #tpu.memory_space<hbm>>
      tpu.enqueue_dma source(%dma_start3A_231 : memref<128xi32, #tpu.memory_space<hbm>>) target(%arg7 : memref<128xi32, #tpu.memory_space<vmem>>) target_semaphore(%run_scoped3A : memref<!tpu.dma_semaphore, #tpu.memory_space<semaphore_mem>>)
      %dma_wait3A_232 = tpu.memref_slice %arg2[%add3A_13] : memref<3200000xi32, #tpu.memory_space<hbm>> -> memref<128xi32, #tpu.memory_space<hbm>>
      %dma_wait3A_233 = tpu.memref_slice %arg2[%add3A_13] : memref<3200000xi32, #tpu.memory_space<hbm>> -> memref<128xi32, #tpu.memory_space<hbm>>
      tpu.wait_dma2 semaphore(%run_scoped3A : memref<!tpu.dma_semaphore, #tpu.memory_space<semaphore_mem>>) src(%dma_wait3A_233 : memref<128xi32, #tpu.memory_space<hbm>>) dst(%arg7 : memref<128xi32, #tpu.memory_space<vmem>>)
      tpu.yield
    }) : () -> ()
    %dma_start3A = arith.constant 0 : i32
    %dma_start3A_14 = arith.constant 0 : i32
    %dma_start3A_15 = tpu.memref_slice %arg3[%dma_start3A, %dma_start3A_14] : memref<100000x40xf32, #tpu.memory_space<hbm>> -> memref<100000x40xf32, #tpu.memory_space<hbm>>
    tpu.enqueue_indirect_dma source(%dma_start3A_15 : memref<100000x40xf32, #tpu.memory_space<hbm>>) target(%arg9 : memref<128x40xf32, #tpu.memory_space<vmem>>) offsets(%arg6 : memref<128xi32, #tpu.memory_space<vmem>>) semaphore(%arg11 : memref<!tpu.dma_semaphore, #tpu.memory_space<semaphore_mem>>)
    %dma_wait3A = arith.constant 0 : i32
    %dma_wait3A_16 = arith.constant 0 : i32
    %dma_wait3A_17 = tpu.memref_slice %arg3[%dma_wait3A, %dma_wait3A_16] : memref<100000x40xf32, #tpu.memory_space<hbm>> -> memref<100000x40xf32, #tpu.memory_space<hbm>>
    tpu.wait_indirect_dma semaphore(%arg11 : memref<!tpu.dma_semaphore, #tpu.memory_space<semaphore_mem>>) src(%dma_wait3A_17 : memref<100000x40xf32, #tpu.memory_space<hbm>>) dst(%arg9 : memref<128x40xf32, #tpu.memory_space<vmem>>)
    %get3A = arith.constant 0 : index
    %get3A_18 = tpu.vector_load %arg7[%get3A] {strides = array<i32>} : memref<128xi32, #tpu.memory_space<vmem>>, vector<16xi32>,
    %get3A_19 = vector.shape_cast %get3A_18 : vector<16xi32> to vector<16xi32>
    %ge3A = vector.broadcast %mul3A_0 : i32 to vector<16xi32>
    %ge3A_20 = arith.cmpi sge, %get3A_19, %ge3A : vector<16xi32>
    %add3A_21 = arith.constant 50000 : i32
    %add3A_22 = arith.addi %mul3A_0, %add3A_21 : i32
    %lt3A = vector.broadcast %add3A_22 : i32 to vector<16xi32>
    %lt3A_23 = arith.cmpi slt, %get3A_19, %lt3A : vector<16xi32>
    %and3A = arith.andi %ge3A_20, %lt3A_23 : vector<16xi1>
    %iota3A = tpu.iota {dimensions = array<i32: 0>} : vector<16xi32>
    %add3A_24 = arith.constant 0 : i32
    %add3A_25 = vector.broadcast %add3A_24 : i32 to vector<16xi32>
    %add3A_26 = arith.addi %iota3A, %add3A_25 : vector<16xi32>
    %ge3A_27 = arith.constant 96 : i32
    %ge3A_28 = vector.broadcast %ge3A_27 : i32 to vector<16xi32>
    %ge3A_29 = arith.cmpi sge, %add3A_26, %ge3A_28 : vector<16xi32>
    %and3A_30 = arith.andi %and3A, %ge3A_29 : vector<16xi1>
    %sub3A_31 = vector.broadcast %mul3A_0 : i32 to vector<16xi32>
    %sub3A_32 = arith.subi %get3A_19, %sub3A_31 : vector<16xi32>
    %jit3A = arith.constant 50000 : i32
    %broadcast_in_dim3A = vector.broadcast %jit3A : i32 to vector<16xi32>
    %select_n3A = arith.select %and3A_30, %sub3A_32, %broadcast_in_dim3A : vector<16xi1>, vector<16xi32>
    %swap3A = arith.constant 0 : index
    %swap3A_33 = tpu.vector_load %arg8[%swap3A] {strides = array<i32>} : memref<128xi32, #tpu.memory_space<vmem>>, vector<16xi32>,
    %swap3A_34 = vector.shape_cast %swap3A_33 : vector<16xi32> to vector<16xi32>
    %swap3A_35 = vector.shape_cast %select_n3A : vector<16xi32> to vector<16xi32>
    tpu.vector_store %arg8[%swap3A], %swap3A_35 {strides = array<i32>} : memref<128xi32, #tpu.memory_space<vmem>>, vector<16xi32>,
    %get3A_36 = arith.constant 16 : index
    %get3A_37 = tpu.vector_load %arg7[%get3A_36] {strides = array<i32>} : memref<128xi32, #tpu.memory_space<vmem>>, vector<16xi32>,
    %get3A_38 = vector.shape_cast %get3A_37 : vector<16xi32> to vector<16xi32>
    %ge3A_39 = vector.broadcast %mul3A_0 : i32 to vector<16xi32>
    %ge3A_40 = arith.cmpi sge, %get3A_38, %ge3A_39 : vector<16xi32>
    %add3A_41 = arith.constant 50000 : i32
    %add3A_42 = arith.addi %mul3A_0, %add3A_41 : i32
    %lt3A_43 = vector.broadcast %add3A_42 : i32 to vector<16xi32>
    %lt3A_44 = arith.cmpi slt, %get3A_38, %lt3A_43 : vector<16xi32>
    %and3A_45 = arith.andi %ge3A_40, %lt3A_44 : vector<16xi1>
    %iota3A_46 = tpu.iota {dimensions = array<i32: 0>} : vector<16xi32>
    %add3A_47 = arith.constant 16 : i32
    %add3A_48 = vector.broadcast %add3A_47 : i32 to vector<16xi32>
    %add3A_49 = arith.addi %iota3A_46, %add3A_48 : vector<16xi32>
    %ge3A_50 = arith.constant 96 : i32
    %ge3A_51 = vector.broadcast %ge3A_50 : i32 to vector<16xi32>
    %ge3A_52 = arith.cmpi sge, %add3A_49, %ge3A_51 : vector<16xi32>
    %and3A_53 = arith.andi %and3A_45, %ge3A_52 : vector<16xi1>
    %sub3A_54 = vector.broadcast %mul3A_0 : i32 to vector<16xi32>
    %sub3A_55 = arith.subi %get3A_38, %sub3A_54 : vector<16xi32>
    %jit3A_56 = arith.constant 50000 : i32
    %broadcast_in_dim3A_57 = vector.broadcast %jit3A_56 : i32 to vector<16xi32>
    %select_n3A_58 = arith.select %and3A_53, %sub3A_55, %broadcast_in_dim3A_57 : vector<16xi1>, vector<16xi32>
    %swap3A_59 = arith.constant 16 : index
    %swap3A_60 = tpu.vector_load %arg8[%swap3A_59] {strides = array<i32>} : memref<128xi32, #tpu.memory_space<vmem>>, vector<16xi32>,
    %swap3A_61 = vector.shape_cast %swap3A_60 : vector<16xi32> to vector<16xi32>
    %swap3A_62 = vector.shape_cast %select_n3A_58 : vector<16xi32> to vector<16xi32>
    tpu.vector_store %arg8[%swap3A_59], %swap3A_62 {strides = array<i32>} : memref<128xi32, #tpu.memory_space<vmem>>, vector<16xi32>,
    %get3A_63 = arith.constant 32 : index
    %get3A_64 = tpu.vector_load %arg7[%get3A_63] {strides = array<i32>} : memref<128xi32, #tpu.memory_space<vmem>>, vector<16xi32>,
    %get3A_65 = vector.shape_cast %get3A_64 : vector<16xi32> to vector<16xi32>
    %ge3A_66 = vector.broadcast %mul3A_0 : i32 to vector<16xi32>
    %ge3A_67 = arith.cmpi sge, %get3A_65, %ge3A_66 : vector<16xi32>
    %add3A_68 = arith.constant 50000 : i32
    %add3A_69 = arith.addi %mul3A_0, %add3A_68 : i32
    %lt3A_70 = vector.broadcast %add3A_69 : i32 to vector<16xi32>
    %lt3A_71 = arith.cmpi slt, %get3A_65, %lt3A_70 : vector<16xi32>
    %and3A_72 = arith.andi %ge3A_67, %lt3A_71 : vector<16xi1>
    %iota3A_73 = tpu.iota {dimensions = array<i32: 0>} : vector<16xi32>
    %add3A_74 = arith.constant 32 : i32
    %add3A_75 = vector.broadcast %add3A_74 : i32 to vector<16xi32>
    %add3A_76 = arith.addi %iota3A_73, %add3A_75 : vector<16xi32>
    %ge3A_77 = arith.constant 96 : i32
    %ge3A_78 = vector.broadcast %ge3A_77 : i32 to vector<16xi32>
    %ge3A_79 = arith.cmpi sge, %add3A_76, %ge3A_78 : vector<16xi32>
    %and3A_80 = arith.andi %and3A_72, %ge3A_79 : vector<16xi1>
    %sub3A_81 = vector.broadcast %mul3A_0 : i32 to vector<16xi32>
    %sub3A_82 = arith.subi %get3A_65, %sub3A_81 : vector<16xi32>
    %jit3A_83 = arith.constant 50000 : i32
    %broadcast_in_dim3A_84 = vector.broadcast %jit3A_83 : i32 to vector<16xi32>
    %select_n3A_85 = arith.select %and3A_80, %sub3A_82, %broadcast_in_dim3A_84 : vector<16xi1>, vector<16xi32>
    %swap3A_86 = arith.constant 32 : index
    %swap3A_87 = tpu.vector_load %arg8[%swap3A_86] {strides = array<i32>} : memref<128xi32, #tpu.memory_space<vmem>>, vector<16xi32>,
    %swap3A_88 = vector.shape_cast %swap3A_87 : vector<16xi32> to vector<16xi32>
    %swap3A_89 = vector.shape_cast %select_n3A_85 : vector<16xi32> to vector<16xi32>
    tpu.vector_store %arg8[%swap3A_86], %swap3A_89 {strides = array<i32>} : memref<128xi32, #tpu.memory_space<vmem>>, vector<16xi32>,
    %get3A_90 = arith.constant 48 : index
    %get3A_91 = tpu.vector_load %arg7[%get3A_90] {strides = array<i32>} : memref<128xi32, #tpu.memory_space<vmem>>, vector<16xi32>,
    %get3A_92 = vector.shape_cast %get3A_91 : vector<16xi32> to vector<16xi32>
    %ge3A_93 = vector.broadcast %mul3A_0 : i32 to vector<16xi32>
    %ge3A_94 = arith.cmpi sge, %get3A_92, %ge3A_93 : vector<16xi32>
    %add3A_95 = arith.constant 50000 : i32
    %add3A_96 = arith.addi %mul3A_0, %add3A_95 : i32
    %lt3A_97 = vector.broadcast %add3A_96 : i32 to vector<16xi32>
    %lt3A_98 = arith.cmpi slt, %get3A_92, %lt3A_97 : vector<16xi32>
    %and3A_99 = arith.andi %ge3A_94, %lt3A_98 : vector<16xi1>
    %iota3A_100 = tpu.iota {dimensions = array<i32: 0>} : vector<16xi32>
    %add3A_101 = arith.constant 48 : i32
    %add3A_102 = vector.broadcast %add3A_101 : i32 to vector<16xi32>
    %add3A_103 = arith.addi %iota3A_100, %add3A_102 : vector<16xi32>
    %ge3A_104 = arith.constant 96 : i32
    %ge3A_105 = vector.broadcast %ge3A_104 : i32 to vector<16xi32>
    %ge3A_106 = arith.cmpi sge, %add3A_103, %ge3A_105 : vector<16xi32>
    %and3A_107 = arith.andi %and3A_99, %ge3A_106 : vector<16xi1>
    %sub3A_108 = vector.broadcast %mul3A_0 : i32 to vector<16xi32>
    %sub3A_109 = arith.subi %get3A_92, %sub3A_108 : vector<16xi32>
    %jit3A_110 = arith.constant 50000 : i32
    %broadcast_in_dim3A_111 = vector.broadcast %jit3A_110 : i32 to vector<16xi32>
    %select_n3A_112 = arith.select %and3A_107, %sub3A_109, %broadcast_in_dim3A_111 : vector<16xi1>, vector<16xi32>
    %swap3A_113 = arith.constant 48 : index
    %swap3A_114 = tpu.vector_load %arg8[%swap3A_113] {strides = array<i32>} : memref<128xi32, #tpu.memory_space<vmem>>, vector<16xi32>,
    %swap3A_115 = vector.shape_cast %swap3A_114 : vector<16xi32> to vector<16xi32>
    %swap3A_116 = vector.shape_cast %select_n3A_112 : vector<16xi32> to vector<16xi32>
    tpu.vector_store %arg8[%swap3A_113], %swap3A_116 {strides = array<i32>} : memref<128xi32, #tpu.memory_space<vmem>>, vector<16xi32>,
    %get3A_117 = arith.constant 64 : index
    %get3A_118 = tpu.vector_load %arg7[%get3A_117] {strides = array<i32>} : memref<128xi32, #tpu.memory_space<vmem>>, vector<16xi32>,
    %get3A_119 = vector.shape_cast %get3A_118 : vector<16xi32> to vector<16xi32>
    %ge3A_120 = vector.broadcast %mul3A_0 : i32 to vector<16xi32>
    %ge3A_121 = arith.cmpi sge, %get3A_119, %ge3A_120 : vector<16xi32>
    %add3A_122 = arith.constant 50000 : i32
    %add3A_123 = arith.addi %mul3A_0, %add3A_122 : i32
    %lt3A_124 = vector.broadcast %add3A_123 : i32 to vector<16xi32>
    %lt3A_125 = arith.cmpi slt, %get3A_119, %lt3A_124 : vector<16xi32>
    %and3A_126 = arith.andi %ge3A_121, %lt3A_125 : vector<16xi1>
    %iota3A_127 = tpu.iota {dimensions = array<i32: 0>} : vector<16xi32>
    %add3A_128 = arith.constant 64 : i32
    %add3A_129 = vector.broadcast %add3A_128 : i32 to vector<16xi32>
    %add3A_130 = arith.addi %iota3A_127, %add3A_129 : vector<16xi32>
    %ge3A_131 = arith.constant 96 : i32
    %ge3A_132 = vector.broadcast %ge3A_131 : i32 to vector<16xi32>
    %ge3A_133 = arith.cmpi sge, %add3A_130, %ge3A_132 : vector<16xi32>
    %and3A_134 = arith.andi %and3A_126, %ge3A_133 : vector<16xi1>
    %sub3A_135 = vector.broadcast %mul3A_0 : i32 to vector<16xi32>
    %sub3A_136 = arith.subi %get3A_119, %sub3A_135 : vector<16xi32>
    %jit3A_137 = arith.constant 50000 : i32
    %broadcast_in_dim3A_138 = vector.broadcast %jit3A_137 : i32 to vector<16xi32>
    %select_n3A_139 = arith.select %and3A_134, %sub3A_136, %broadcast_in_dim3A_138 : vector<16xi1>, vector<16xi32>
    %swap3A_140 = arith.constant 64 : index
    %swap3A_141 = tpu.vector_load %arg8[%swap3A_140] {strides = array<i32>} : memref<128xi32, #tpu.memory_space<vmem>>, vector<16xi32>,
    %swap3A_142 = vector.shape_cast %swap3A_141 : vector<16xi32> to vector<16xi32>
    %swap3A_143 = vector.shape_cast %select_n3A_139 : vector<16xi32> to vector<16xi32>
    tpu.vector_store %arg8[%swap3A_140], %swap3A_143 {strides = array<i32>} : memref<128xi32, #tpu.memory_space<vmem>>, vector<16xi32>,
    %get3A_144 = arith.constant 80 : index
    %get3A_145 = tpu.vector_load %arg7[%get3A_144] {strides = array<i32>} : memref<128xi32, #tpu.memory_space<vmem>>, vector<16xi32>,
    %get3A_146 = vector.shape_cast %get3A_145 : vector<16xi32> to vector<16xi32>
    %ge3A_147 = vector.broadcast %mul3A_0 : i32 to vector<16xi32>
    %ge3A_148 = arith.cmpi sge, %get3A_146, %ge3A_147 : vector<16xi32>
    %add3A_149 = arith.constant 50000 : i32
    %add3A_150 = arith.addi %mul3A_0, %add3A_149 : i32
    %lt3A_151 = vector.broadcast %add3A_150 : i32 to vector<16xi32>
    %lt3A_152 = arith.cmpi slt, %get3A_146, %lt3A_151 : vector<16xi32>
    %and3A_153 = arith.andi %ge3A_148, %lt3A_152 : vector<16xi1>
    %iota3A_154 = tpu.iota {dimensions = array<i32: 0>} : vector<16xi32>
    %add3A_155 = arith.constant 80 : i32
    %add3A_156 = vector.broadcast %add3A_155 : i32 to vector<16xi32>
    %add3A_157 = arith.addi %iota3A_154, %add3A_156 : vector<16xi32>
    %ge3A_158 = arith.constant 96 : i32
    %ge3A_159 = vector.broadcast %ge3A_158 : i32 to vector<16xi32>
    %ge3A_160 = arith.cmpi sge, %add3A_157, %ge3A_159 : vector<16xi32>
    %and3A_161 = arith.andi %and3A_153, %ge3A_160 : vector<16xi1>
    %sub3A_162 = vector.broadcast %mul3A_0 : i32 to vector<16xi32>
    %sub3A_163 = arith.subi %get3A_146, %sub3A_162 : vector<16xi32>
    %jit3A_164 = arith.constant 50000 : i32
    %broadcast_in_dim3A_165 = vector.broadcast %jit3A_164 : i32 to vector<16xi32>
    %select_n3A_166 = arith.select %and3A_161, %sub3A_163, %broadcast_in_dim3A_165 : vector<16xi1>, vector<16xi32>
    %swap3A_167 = arith.constant 80 : index
    %swap3A_168 = tpu.vector_load %arg8[%swap3A_167] {strides = array<i32>} : memref<128xi32, #tpu.memory_space<vmem>>, vector<16xi32>,
    %swap3A_169 = vector.shape_cast %swap3A_168 : vector<16xi32> to vector<16xi32>
    %swap3A_170 = vector.shape_cast %select_n3A_166 : vector<16xi32> to vector<16xi32>
    tpu.vector_store %arg8[%swap3A_167], %swap3A_170 {strides = array<i32>} : memref<128xi32, #tpu.memory_space<vmem>>, vector<16xi32>,
    %get3A_171 = arith.constant 96 : index
    %get3A_172 = tpu.vector_load %arg7[%get3A_171] {strides = array<i32>} : memref<128xi32, #tpu.memory_space<vmem>>, vector<16xi32>,
    %get3A_173 = vector.shape_cast %get3A_172 : vector<16xi32> to vector<16xi32>
    %ge3A_174 = vector.broadcast %mul3A_0 : i32 to vector<16xi32>
    %ge3A_175 = arith.cmpi sge, %get3A_173, %ge3A_174 : vector<16xi32>
    %add3A_176 = arith.constant 50000 : i32
    %add3A_177 = arith.addi %mul3A_0, %add3A_176 : i32
    %lt3A_178 = vector.broadcast %add3A_177 : i32 to vector<16xi32>
    %lt3A_179 = arith.cmpi slt, %get3A_173, %lt3A_178 : vector<16xi32>
    %and3A_180 = arith.andi %ge3A_175, %lt3A_179 : vector<16xi1>
    %iota3A_181 = tpu.iota {dimensions = array<i32: 0>} : vector<16xi32>
    %add3A_182 = arith.constant 96 : i32
    %add3A_183 = vector.broadcast %add3A_182 : i32 to vector<16xi32>
    %add3A_184 = arith.addi %iota3A_181, %add3A_183 : vector<16xi32>
    %ge3A_185 = arith.constant 96 : i32
    %ge3A_186 = vector.broadcast %ge3A_185 : i32 to vector<16xi32>
    %ge3A_187 = arith.cmpi sge, %add3A_184, %ge3A_186 : vector<16xi32>
    %and3A_188 = arith.andi %and3A_180, %ge3A_187 : vector<16xi1>
    %sub3A_189 = vector.broadcast %mul3A_0 : i32 to vector<16xi32>
    %sub3A_190 = arith.subi %get3A_173, %sub3A_189 : vector<16xi32>
    %jit3A_191 = arith.constant 50000 : i32
    %broadcast_in_dim3A_192 = vector.broadcast %jit3A_191 : i32 to vector<16xi32>
    %select_n3A_193 = arith.select %and3A_188, %sub3A_190, %broadcast_in_dim3A_192 : vector<16xi1>, vector<16xi32>
    %swap3A_194 = arith.constant 96 : index
    %swap3A_195 = tpu.vector_load %arg8[%swap3A_194] {strides = array<i32>} : memref<128xi32, #tpu.memory_space<vmem>>, vector<16xi32>,
    %swap3A_196 = vector.shape_cast %swap3A_195 : vector<16xi32> to vector<16xi32>
    %swap3A_197 = vector.shape_cast %select_n3A_193 : vector<16xi32> to vector<16xi32>
    tpu.vector_store %arg8[%swap3A_194], %swap3A_197 {strides = array<i32>} : memref<128xi32, #tpu.memory_space<vmem>>, vector<16xi32>,
    %get3A_198 = arith.constant 112 : index
    %get3A_199 = tpu.vector_load %arg7[%get3A_198] {strides = array<i32>} : memref<128xi32, #tpu.memory_space<vmem>>, vector<16xi32>,
    %get3A_200 = vector.shape_cast %get3A_199 : vector<16xi32> to vector<16xi32>
    %ge3A_201 = vector.broadcast %mul3A_0 : i32 to vector<16xi32>
    %ge3A_202 = arith.cmpi sge, %get3A_200, %ge3A_201 : vector<16xi32>
    %add3A_203 = arith.constant 50000 : i32
    %add3A_204 = arith.addi %mul3A_0, %add3A_203 : i32
    %lt3A_205 = vector.broadcast %add3A_204 : i32 to vector<16xi32>
    %lt3A_206 = arith.cmpi slt, %get3A_200, %lt3A_205 : vector<16xi32>
    %and3A_207 = arith.andi %ge3A_202, %lt3A_206 : vector<16xi1>
    %iota3A_208 = tpu.iota {dimensions = array<i32: 0>} : vector<16xi32>
    %add3A_209 = arith.constant 112 : i32
    %add3A_210 = vector.broadcast %add3A_209 : i32 to vector<16xi32>
    %add3A_211 = arith.addi %iota3A_208, %add3A_210 : vector<16xi32>
    %ge3A_212 = arith.constant 96 : i32
    %ge3A_213 = vector.broadcast %ge3A_212 : i32 to vector<16xi32>
    %ge3A_214 = arith.cmpi sge, %add3A_211, %ge3A_213 : vector<16xi32>
    %and3A_215 = arith.andi %and3A_207, %ge3A_214 : vector<16xi1>
    %sub3A_216 = vector.broadcast %mul3A_0 : i32 to vector<16xi32>
    %sub3A_217 = arith.subi %get3A_200, %sub3A_216 : vector<16xi32>
    %jit3A_218 = arith.constant 50000 : i32
    %broadcast_in_dim3A_219 = vector.broadcast %jit3A_218 : i32 to vector<16xi32>
    %select_n3A_220 = arith.select %and3A_215, %sub3A_217, %broadcast_in_dim3A_219 : vector<16xi1>, vector<16xi32>
    %swap3A_221 = arith.constant 112 : index
    %swap3A_222 = tpu.vector_load %arg8[%swap3A_221] {strides = array<i32>} : memref<128xi32, #tpu.memory_space<vmem>>, vector<16xi32>,
    %swap3A_223 = vector.shape_cast %swap3A_222 : vector<16xi32> to vector<16xi32>
    %swap3A_224 = vector.shape_cast %select_n3A_220 : vector<16xi32> to vector<16xi32>
    tpu.vector_store %arg8[%swap3A_221], %swap3A_224 {strides = array<i32>} : memref<128xi32, #tpu.memory_space<vmem>>, vector<16xi32>,
    "tpu.region"() ({
      %run_scoped3A = tpu.sem_alloc : memref<!tpu.dma_semaphore, #tpu.memory_space<semaphore_mem>>
      %dma_start3A_230 = arith.constant 0 : i32
      %dma_start3A_231 = arith.constant 0 : i32
      %dma_start3A_232 = tpu.memref_slice %arg10[%dma_start3A_230, %dma_start3A_231] : memref<50048x40xf32, #tpu.memory_space<vmem_shared>> -> memref<50048x40xf32, #tpu.memory_space<vmem_shared>>
      tpu.enqueue_indirect_dma source(%arg9 : memref<128x40xf32, #tpu.memory_space<vmem>>) target(%dma_start3A_232 : memref<50048x40xf32, #tpu.memory_space<vmem_shared>>) offsets(%arg8 : memref<128xi32, #tpu.memory_space<vmem>>) semaphore(%run_scoped3A : memref<!tpu.dma_semaphore, #tpu.memory_space<semaphore_mem>>) {add = true}
      %dma_wait3A_233 = arith.constant 0 : i32
      %dma_wait3A_234 = arith.constant 0 : i32
      %dma_wait3A_235 = tpu.memref_slice %arg10[%dma_wait3A_233, %dma_wait3A_234] : memref<50048x40xf32, #tpu.memory_space<vmem_shared>> -> memref<50048x40xf32, #tpu.memory_space<vmem_shared>>
      tpu.wait_indirect_dma semaphore(%run_scoped3A : memref<!tpu.dma_semaphore, #tpu.memory_space<semaphore_mem>>) src(%arg9 : memref<128x40xf32, #tpu.memory_space<vmem>>) dst(%dma_wait3A_235 : memref<50048x40xf32, #tpu.memory_space<vmem_shared>>)
      tpu.yield
    }) : () -> ()
    %barrier3A_225 = arith.constant 0 : index
    tpu.barrier barrier_id(%barrier3A_225)
    %mul3A_226 = arith.constant 3128 : i32
    %mul3A_227 = arith.muli %arg1, %mul3A_226 : i32
    %mul3A_228 = arith.constant 3128 : i32
    %mul3A_229 = arith.muli %arg1, %mul3A_228 : i32
    "tpu.region"() ({
      %run_scoped3A = tpu.sem_alloc : memref<!tpu.dma_semaphore, #tpu.memory_space<semaphore_mem>>
      %dma_start3A_230 = arith.constant 0 : i32
      %dma_start3A_231 = tpu.memref_slice %arg5[%arg0, %mul3A_229, %dma_start3A_230] : memref<2x50048x40xf32, #tpu.memory_space<hbm>> -> memref<1x3128x40xf32, #tpu.memory_space<hbm>>
      %dma_start3A_232 = tpu.memref_squeeze %dma_start3A_231 : memref<1x3128x40xf32, #tpu.memory_space<hbm>> -> memref<3128x40xf32, #tpu.memory_space<hbm>>
      %dma_start3A_233 = arith.constant 0 : i32
      %dma_start3A_234 = tpu.memref_slice %arg10[%mul3A_227, %dma_start3A_233] : memref<50048x40xf32, #tpu.memory_space<vmem_shared>> -> memref<3128x40xf32, #tpu.memory_space<vmem_shared>>
      tpu.enqueue_dma source(%dma_start3A_234 : memref<3128x40xf32, #tpu.memory_space<vmem_shared>>) target(%dma_start3A_232 : memref<3128x40xf32, #tpu.memory_space<hbm>>) target_semaphore(%run_scoped3A : memref<!tpu.dma_semaphore, #tpu.memory_space<semaphore_mem>>)
      %dma_wait3A_235 = arith.constant 0 : i32
      %dma_wait3A_236 = tpu.memref_slice %arg5[%arg0, %mul3A_229, %dma_wait3A_235] : memref<2x50048x40xf32, #tpu.memory_space<hbm>> -> memref<1x3128x40xf32, #tpu.memory_space<hbm>>
      %dma_wait3A_237 = tpu.memref_squeeze %dma_wait3A_236 : memref<1x3128x40xf32, #tpu.memory_space<hbm>> -> memref<3128x40xf32, #tpu.memory_space<hbm>>
      %dma_wait3A_238 = arith.constant 0 : i32
      %dma_wait3A_239 = tpu.memref_slice %arg10[%mul3A_227, %dma_wait3A_238] : memref<50048x40xf32, #tpu.memory_space<vmem_shared>> -> memref<3128x40xf32, #tpu.memory_space<vmem_shared>>
      tpu.wait_dma2 semaphore(%run_scoped3A : memref<!tpu.dma_semaphore, #tpu.memory_space<semaphore_mem>>) src(%dma_wait3A_239 : memref<3128x40xf32, #tpu.memory_space<vmem_shared>>) dst(%dma_wait3A_237 : memref<3128x40xf32, #tpu.memory_space<hbm>>)
      tpu.yield
    }) : () -> ()
    return
  }
}

module attributes {stable_mosaic.version = 14 : i64} {
  func.func @_pre_body(%arg0: i32, %arg1: memref<5000x2xf32, #tpu.memory_space<vmem>>, %arg2: memref<2x34xf32, #tpu.memory_space<vmem>>, %arg3: memref<1x34xf32, #tpu.memory_space<vmem>>, %arg4: memref<34x34xf32, #tpu.memory_space<vmem>>, %arg5: memref<1x34xf32, #tpu.memory_space<vmem>>, %arg6: memref<34x34xf32, #tpu.memory_space<vmem>>, %arg7: memref<1x34xf32, #tpu.memory_space<vmem>>, %arg8: memref<34x34xf32, #tpu.memory_space<vmem>>, %arg9: memref<1x34xf32, #tpu.memory_space<vmem>>, %arg10: memref<5000x34xf32, #tpu.memory_space<vmem>>, %arg11: memref<5000x40xf32, #tpu.memory_space<vmem>>) attributes {dimension_semantics = [#tpu.dimension_semantics<arbitrary>], iteration_bounds = array<i64: 20>, scalar_prefetch = 0 : i64, scratch_operands = 0 : i64, tpu.core_type = #tpu.core_type<tc>, window_params = [{transform_indices = @transform_0, window_bounds = array<i64: 5000, 2>}, {pipeline_mode = #tpu.pipeline_mode<synchronous>, transform_indices = @transform_1, window_bounds = array<i64: 2, 34>}, {pipeline_mode = #tpu.pipeline_mode<synchronous>, transform_indices = @transform_2, window_bounds = array<i64: 1, 34>}, {pipeline_mode = #tpu.pipeline_mode<synchronous>, transform_indices = @transform_3, window_bounds = array<i64: 34, 34>}, {pipeline_mode = #tpu.pipeline_mode<synchronous>, transform_indices = @transform_4, window_bounds = array<i64: 1, 34>}, {pipeline_mode = #tpu.pipeline_mode<synchronous>, transform_indices = @transform_5, window_bounds = array<i64: 34, 34>}, {pipeline_mode = #tpu.pipeline_mode<synchronous>, transform_indices = @transform_6, window_bounds = array<i64: 1, 34>}, {pipeline_mode = #tpu.pipeline_mode<synchronous>, transform_indices = @transform_7, window_bounds = array<i64: 34, 34>}, {pipeline_mode = #tpu.pipeline_mode<synchronous>, transform_indices = @transform_8, window_bounds = array<i64: 1, 34>}, {transform_indices = @transform_9, window_bounds = array<i64: 5000, 34>}, {transform_indices = @transform_10, window_bounds = array<i64: 5000, 40>}]} {
    %get3A = arith.constant 0 : index
    %get3A_0 = arith.constant 0 : index
    %get3A_1 = vector.load %arg1[%get3A, %get3A_0] : memref<5000x2xf32, #tpu.memory_space<vmem>>, vector<5000x2xf32>
    %get3A_2 = arith.constant 0 : index
    %get3A_3 = arith.constant 0 : index
    %get3A_4 = vector.load %arg2[%get3A_2, %get3A_3] : memref<2x34xf32, #tpu.memory_space<vmem>>, vector<2x34xf32>
    %dot_general3A = arith.constant dense<0.000000e+00> : vector<5000x34xf32>
    %dot_general3A_5 = tpu.matmul %get3A_1, %get3A_4, %dot_general3A {dimension_numbers = #tpu.dot_dimension_numbers<[1], [0], [0], [1], [0, 0, 1, 1], [], []>, transpose_lhs_hint = false} : vector<5000x2xf32>, vector<2x34xf32>, vector<5000x34xf32> -> vector<5000x34xf32>
    %get3A_6 = arith.constant 0 : index
    %get3A_7 = arith.constant 0 : index
    %get3A_8 = vector.load %arg3[%get3A_6, %get3A_7] : memref<1x34xf32, #tpu.memory_space<vmem>>, vector<1x34xf32>
    %add3A = vector.broadcast %get3A_8 : vector<1x34xf32> to vector<5000x34xf32>
    %add3A_9 = arith.addf %dot_general3A_5, %add3A : vector<5000x34xf32>
    %max3A = arith.constant 0.000000e+00 : f32
    %max3A_10 = vector.broadcast %max3A : f32 to vector<5000x34xf32>
    %max3A_11 = arith.maximumf %add3A_9, %max3A_10 : vector<5000x34xf32>
    %get3A_12 = arith.constant 0 : index
    %get3A_13 = arith.constant 0 : index
    %get3A_14 = vector.load %arg4[%get3A_12, %get3A_13] : memref<34x34xf32, #tpu.memory_space<vmem>>, vector<34x34xf32>
    %dot_general3A_15 = arith.constant dense<0.000000e+00> : vector<5000x34xf32>
    %dot_general3A_16 = tpu.matmul %max3A_11, %get3A_14, %dot_general3A_15 {dimension_numbers = #tpu.dot_dimension_numbers<[1], [0], [0], [1], [0, 0, 1, 1], [], []>, transpose_lhs_hint = false} : vector<5000x34xf32>, vector<34x34xf32>, vector<5000x34xf32> -> vector<5000x34xf32>
    %get3A_17 = arith.constant 0 : index
    %get3A_18 = arith.constant 0 : index
    %get3A_19 = vector.load %arg5[%get3A_17, %get3A_18] : memref<1x34xf32, #tpu.memory_space<vmem>>, vector<1x34xf32>
    %add3A_20 = vector.broadcast %get3A_19 : vector<1x34xf32> to vector<5000x34xf32>
    %add3A_21 = arith.addf %dot_general3A_16, %add3A_20 : vector<5000x34xf32>
    %swap3A = arith.constant 0 : index
    %swap3A_22 = arith.constant 0 : index
    %swap3A_23 = vector.load %arg10[%swap3A, %swap3A_22] : memref<5000x34xf32, #tpu.memory_space<vmem>>, vector<5000x34xf32>
    tpu.vector_store %arg10[%swap3A, %swap3A_22], %add3A_21 {strides = array<i32>} : memref<5000x34xf32, #tpu.memory_space<vmem>>, vector<5000x34xf32>,
    %get3A_24 = arith.constant 0 : index
    %get3A_25 = arith.constant 0 : index
    %get3A_26 = vector.load %arg6[%get3A_24, %get3A_25] : memref<34x34xf32, #tpu.memory_space<vmem>>, vector<34x34xf32>
    %dot_general3A_27 = arith.constant dense<0.000000e+00> : vector<5000x34xf32>
    %dot_general3A_28 = tpu.matmul %add3A_21, %get3A_26, %dot_general3A_27 {dimension_numbers = #tpu.dot_dimension_numbers<[1], [0], [0], [1], [0, 0, 1, 1], [], []>, transpose_lhs_hint = false} : vector<5000x34xf32>, vector<34x34xf32>, vector<5000x34xf32> -> vector<5000x34xf32>
    %get3A_29 = arith.constant 0 : index
    %get3A_30 = arith.constant 0 : index
    %get3A_31 = vector.load %arg7[%get3A_29, %get3A_30] : memref<1x34xf32, #tpu.memory_space<vmem>>, vector<1x34xf32>
    %add3A_32 = vector.broadcast %get3A_31 : vector<1x34xf32> to vector<5000x34xf32>
    %add3A_33 = arith.addf %dot_general3A_28, %add3A_32 : vector<5000x34xf32>
    %max3A_34 = arith.constant 0.000000e+00 : f32
    %max3A_35 = vector.broadcast %max3A_34 : f32 to vector<5000x34xf32>
    %max3A_36 = arith.maximumf %add3A_33, %max3A_35 : vector<5000x34xf32>
    %get3A_37 = arith.constant 0 : index
    %get3A_38 = arith.constant 0 : index
    %get3A_39 = vector.load %arg8[%get3A_37, %get3A_38] : memref<34x34xf32, #tpu.memory_space<vmem>>, vector<34x34xf32>
    %dot_general3A_40 = arith.constant dense<0.000000e+00> : vector<5000x34xf32>
    %dot_general3A_41 = tpu.matmul %max3A_36, %get3A_39, %dot_general3A_40 {dimension_numbers = #tpu.dot_dimension_numbers<[1], [0], [0], [1], [0, 0, 1, 1], [], []>, transpose_lhs_hint = false} : vector<5000x34xf32>, vector<34x34xf32>, vector<5000x34xf32> -> vector<5000x34xf32>
    %get3A_42 = arith.constant 0 : index
    %get3A_43 = arith.constant 0 : index
    %get3A_44 = vector.load %arg9[%get3A_42, %get3A_43] : memref<1x34xf32, #tpu.memory_space<vmem>>, vector<1x34xf32>
    %add3A_45 = vector.broadcast %get3A_44 : vector<1x34xf32> to vector<5000x34xf32>
    %add3A_46 = arith.addf %dot_general3A_41, %add3A_45 : vector<5000x34xf32>
    %broadcast_in_dim3A = arith.constant 1.000000e+00 : f32
    %broadcast_in_dim3A_47 = vector.broadcast %broadcast_in_dim3A : f32 to vector<5000x1xf32>
    %broadcast_in_dim3A_48 = arith.constant 0.000000e+00 : f32
    %broadcast_in_dim3A_49 = vector.broadcast %broadcast_in_dim3A_48 : f32 to vector<5000x5xf32>
    %concatenate3A = tpu.concatenate %add3A_46, %broadcast_in_dim3A_47, %broadcast_in_dim3A_49 in 1 : vector<5000x34xf32>, vector<5000x1xf32>, vector<5000x5xf32> -> vector<5000x40xf32>
    %swap3A_50 = arith.constant 0 : index
    %swap3A_51 = arith.constant 0 : index
    %swap3A_52 = vector.load %arg11[%swap3A_50, %swap3A_51] : memref<5000x40xf32, #tpu.memory_space<vmem>>, vector<5000x40xf32>
    tpu.vector_store %arg11[%swap3A_50, %swap3A_51], %concatenate3A {strides = array<i32>} : memref<5000x40xf32, #tpu.memory_space<vmem>>, vector<5000x40xf32>,
    return
  }
  func.func @transform_0(%arg0: i32) -> (i32, i32) {
    %c0_i32 = arith.constant 0 : i32
    %c0_i32_0 = arith.constant 0 : i32
    return %arg0, %c0_i32 : i32, i32
  }
  func.func @transform_1(%arg0: i32) -> (i32, i32) {
    %c0_i32 = arith.constant 0 : i32
    %c0_i32_0 = arith.constant 0 : i32
    %c0_i32_1 = arith.constant 0 : i32
    return %c0_i32, %c0_i32_0 : i32, i32
  }
  func.func @transform_2(%arg0: i32) -> (i32, i32) {
    %c0_i32 = arith.constant 0 : i32
    %c0_i32_0 = arith.constant 0 : i32
    %c0_i32_1 = arith.constant 0 : i32
    return %c0_i32, %c0_i32_0 : i32, i32
  }
  func.func @transform_3(%arg0: i32) -> (i32, i32) {
    %c0_i32 = arith.constant 0 : i32
    %c0_i32_0 = arith.constant 0 : i32
    %c0_i32_1 = arith.constant 0 : i32
    return %c0_i32, %c0_i32_0 : i32, i32
  }
  func.func @transform_4(%arg0: i32) -> (i32, i32) {
    %c0_i32 = arith.constant 0 : i32
    %c0_i32_0 = arith.constant 0 : i32
    %c0_i32_1 = arith.constant 0 : i32
    return %c0_i32, %c0_i32_0 : i32, i32
  }
  func.func @transform_5(%arg0: i32) -> (i32, i32) {
    %c0_i32 = arith.constant 0 : i32
    %c0_i32_0 = arith.constant 0 : i32
    %c0_i32_1 = arith.constant 0 : i32
    return %c0_i32, %c0_i32_0 : i32, i32
  }
  func.func @transform_6(%arg0: i32) -> (i32, i32) {
    %c0_i32 = arith.constant 0 : i32
    %c0_i32_0 = arith.constant 0 : i32
    %c0_i32_1 = arith.constant 0 : i32
    return %c0_i32, %c0_i32_0 : i32, i32
  }
  func.func @transform_7(%arg0: i32) -> (i32, i32) {
    %c0_i32 = arith.constant 0 : i32
    %c0_i32_0 = arith.constant 0 : i32
    %c0_i32_1 = arith.constant 0 : i32
    return %c0_i32, %c0_i32_0 : i32, i32
  }
  func.func @transform_8(%arg0: i32) -> (i32, i32) {
    %c0_i32 = arith.constant 0 : i32
    %c0_i32_0 = arith.constant 0 : i32
    %c0_i32_1 = arith.constant 0 : i32
    return %c0_i32, %c0_i32_0 : i32, i32
  }
  func.func @transform_9(%arg0: i32) -> (i32, i32) {
    %c0_i32 = arith.constant 0 : i32
    %c0_i32_0 = arith.constant 0 : i32
    return %arg0, %c0_i32 : i32, i32
  }
  func.func @transform_10(%arg0: i32) -> (i32, i32) {
    %c0_i32 = arith.constant 0 : i32
    %c0_i32_0 = arith.constant 0 : i32
    return %arg0, %c0_i32 : i32, i32
  }
}

module attributes {stable_mosaic.version = 14 : i64} {
  func.func @_post_body(%arg0: i32, %arg1: memref<5000x34xf32, #tpu.memory_space<vmem>>, %arg2: memref<1x5000x40xf32, #tpu.memory_space<vmem>>, %arg3: memref<68x34xf32, #tpu.memory_space<vmem>>, %arg4: memref<1x34xf32, #tpu.memory_space<vmem>>, %arg5: memref<34x34xf32, #tpu.memory_space<vmem>>, %arg6: memref<1x34xf32, #tpu.memory_space<vmem>>, %arg7: memref<1x34xf32, #tpu.memory_space<vmem>>, %arg8: memref<1x34xf32, #tpu.memory_space<vmem>>, %arg9: memref<34x34xf32, #tpu.memory_space<vmem>>, %arg10: memref<1x34xf32, #tpu.memory_space<vmem>>, %arg11: memref<34x34xf32, #tpu.memory_space<vmem>>, %arg12: memref<1x34xf32, #tpu.memory_space<vmem>>, %arg13: memref<34x34xf32, #tpu.memory_space<vmem>>, %arg14: memref<1x34xf32, #tpu.memory_space<vmem>>, %arg15: memref<34x34xf32, #tpu.memory_space<vmem>>, %arg16: memref<1x34xf32, #tpu.memory_space<vmem>>, %arg17: memref<34x2xf32, #tpu.memory_space<vmem>>, %arg18: memref<1x2xf32, #tpu.memory_space<vmem>>, %arg19: memref<5000x2xf32, #tpu.memory_space<vmem>>) attributes {dimension_semantics = [#tpu.dimension_semantics<arbitrary>], iteration_bounds = array<i64: 20>, scalar_prefetch = 0 : i64, scratch_operands = 0 : i64, tpu.core_type = #tpu.core_type<tc>, window_params = [{transform_indices = @transform_0, window_bounds = array<i64: 5000, 34>}, {transform_indices = @transform_1, window_bounds = array<i64: 1, 5000, 40>}, {pipeline_mode = #tpu.pipeline_mode<synchronous>, transform_indices = @transform_2, window_bounds = array<i64: 68, 34>}, {pipeline_mode = #tpu.pipeline_mode<synchronous>, transform_indices = @transform_3, window_bounds = array<i64: 1, 34>}, {pipeline_mode = #tpu.pipeline_mode<synchronous>, transform_indices = @transform_4, window_bounds = array<i64: 34, 34>}, {pipeline_mode = #tpu.pipeline_mode<synchronous>, transform_indices = @transform_5, window_bounds = array<i64: 1, 34>}, {pipeline_mode = #tpu.pipeline_mode<synchronous>, transform_indices = @transform_6, window_bounds = array<i64: 1, 34>}, {pipeline_mode = #tpu.pipeline_mode<synchronous>, transform_indices = @transform_7, window_bounds = array<i64: 1, 34>}, {pipeline_mode = #tpu.pipeline_mode<synchronous>, transform_indices = @transform_8, window_bounds = array<i64: 34, 34>}, {pipeline_mode = #tpu.pipeline_mode<synchronous>, transform_indices = @transform_9, window_bounds = array<i64: 1, 34>}, {pipeline_mode = #tpu.pipeline_mode<synchronous>, transform_indices = @transform_10, window_bounds = array<i64: 34, 34>}, {pipeline_mode = #tpu.pipeline_mode<synchronous>, transform_indices = @transform_11, window_bounds = array<i64: 1, 34>}, {pipeline_mode = #tpu.pipeline_mode<synchronous>, transform_indices = @transform_12, window_bounds = array<i64: 34, 34>}, {pipeline_mode = #tpu.pipeline_mode<synchronous>, transform_indices = @transform_13, window_bounds = array<i64: 1, 34>}, {pipeline_mode = #tpu.pipeline_mode<synchronous>, transform_indices = @transform_14, window_bounds = array<i64: 34, 34>}, {pipeline_mode = #tpu.pipeline_mode<synchronous>, transform_indices = @transform_15, window_bounds = array<i64: 1, 34>}, {pipeline_mode = #tpu.pipeline_mode<synchronous>, transform_indices = @transform_16, window_bounds = array<i64: 34, 2>}, {pipeline_mode = #tpu.pipeline_mode<synchronous>, transform_indices = @transform_17, window_bounds = array<i64: 1, 2>}, {transform_indices = @transform_18, window_bounds = array<i64: 5000, 2>}]} {
    %get3A = arith.constant 0 : index
    %get3A_0 = arith.constant 0 : index
    %get3A_1 = vector.load %arg1[%get3A, %get3A_0] : memref<5000x34xf32, #tpu.memory_space<vmem>>, vector<5000x34xf32>
    %get3A_2 = arith.constant 0 : index
    %get3A_3 = arith.constant 0 : index
    %get3A_4 = arith.constant 0 : index
    %get3A_5 = vector.load %arg2[%get3A_2, %get3A_3, %get3A_4] : memref<1x5000x40xf32, #tpu.memory_space<vmem>>, vector<1x5000x40xf32>
    %get3A_6 = vector.shape_cast %get3A_5 : vector<1x5000x40xf32> to vector<5000x40xf32>
    %slice3A = vector.extract_strided_slice %get3A_6 {offsets = [0, 0], sizes = [5000, 34], strides = [1, 1]} : vector<5000x40xf32> to vector<5000x34xf32>
    %slice3A_7 = vector.extract_strided_slice %get3A_6 {offsets = [0, 34], sizes = [5000, 1], strides = [1, 1]} : vector<5000x40xf32> to vector<5000x1xf32>
    %max3A = arith.constant 1.000000e+00 : f32
    %max3A_8 = vector.broadcast %max3A : f32 to vector<5000x1xf32>
    %max3A_9 = arith.maximumf %slice3A_7, %max3A_8 : vector<5000x1xf32>
    %div3A = vector.broadcast %max3A_9 : vector<5000x1xf32> to vector<5000x34xf32>
    %div3A_10 = arith.divf %slice3A, %div3A : vector<5000x34xf32>
    %concatenate3A = tpu.concatenate %get3A_1, %div3A_10 in 1 : vector<5000x34xf32>, vector<5000x34xf32> -> vector<5000x68xf32>
    %get3A_11 = arith.constant 0 : index
    %get3A_12 = arith.constant 0 : index
    %get3A_13 = vector.load %arg3[%get3A_11, %get3A_12] : memref<68x34xf32, #tpu.memory_space<vmem>>, vector<68x34xf32>
    %dot_general3A = arith.constant dense<0.000000e+00> : vector<5000x34xf32>
    %dot_general3A_14 = tpu.matmul %concatenate3A, %get3A_13, %dot_general3A {dimension_numbers = #tpu.dot_dimension_numbers<[1], [0], [0], [1], [0, 0, 1, 1], [], []>, transpose_lhs_hint = false} : vector<5000x68xf32>, vector<68x34xf32>, vector<5000x34xf32> -> vector<5000x34xf32>
    %get3A_15 = arith.constant 0 : index
    %get3A_16 = arith.constant 0 : index
    %get3A_17 = vector.load %arg4[%get3A_15, %get3A_16] : memref<1x34xf32, #tpu.memory_space<vmem>>, vector<1x34xf32>
    %add3A = vector.broadcast %get3A_17 : vector<1x34xf32> to vector<5000x34xf32>
    %add3A_18 = arith.addf %dot_general3A_14, %add3A : vector<5000x34xf32>
    %max3A_19 = arith.constant 0.000000e+00 : f32
    %max3A_20 = vector.broadcast %max3A_19 : f32 to vector<5000x34xf32>
    %max3A_21 = arith.maximumf %add3A_18, %max3A_20 : vector<5000x34xf32>
    %get3A_22 = arith.constant 0 : index
    %get3A_23 = arith.constant 0 : index
    %get3A_24 = vector.load %arg5[%get3A_22, %get3A_23] : memref<34x34xf32, #tpu.memory_space<vmem>>, vector<34x34xf32>
    %dot_general3A_25 = arith.constant dense<0.000000e+00> : vector<5000x34xf32>
    %dot_general3A_26 = tpu.matmul %max3A_21, %get3A_24, %dot_general3A_25 {dimension_numbers = #tpu.dot_dimension_numbers<[1], [0], [0], [1], [0, 0, 1, 1], [], []>, transpose_lhs_hint = false} : vector<5000x34xf32>, vector<34x34xf32>, vector<5000x34xf32> -> vector<5000x34xf32>
    %get3A_27 = arith.constant 0 : index
    %get3A_28 = arith.constant 0 : index
    %get3A_29 = vector.load %arg6[%get3A_27, %get3A_28] : memref<1x34xf32, #tpu.memory_space<vmem>>, vector<1x34xf32>
    %add3A_30 = vector.broadcast %get3A_29 : vector<1x34xf32> to vector<5000x34xf32>
    %add3A_31 = arith.addf %dot_general3A_26, %add3A_30 : vector<5000x34xf32>
    %reduce_sum3A = arith.constant dense<0.000000e+00> : vector<5000xf32>
    %reduce_sum3A_32 = vector.multi_reduction <add>, %add3A_31, %reduce_sum3A [1] : vector<5000x34xf32> to vector<5000xf32>
    %broadcast_in_dim3A = vector.shape_cast %reduce_sum3A_32 : vector<5000xf32> to vector<5000x1xf32>
    %div3A_33 = arith.constant 3.400000e+01 : f32
    %div3A_34 = vector.broadcast %div3A_33 : f32 to vector<5000x1xf32>
    %div3A_35 = arith.divf %broadcast_in_dim3A, %div3A_34 : vector<5000x1xf32>
    %sub3A = vector.broadcast %div3A_35 : vector<5000x1xf32> to vector<5000x34xf32>
    %sub3A_36 = arith.subf %add3A_31, %sub3A : vector<5000x34xf32>
    %sub3A_37 = vector.broadcast %div3A_35 : vector<5000x1xf32> to vector<5000x34xf32>
    %sub3A_38 = arith.subf %add3A_31, %sub3A_37 : vector<5000x34xf32>
    %mul3A = arith.mulf %sub3A_36, %sub3A_38 : vector<5000x34xf32>
    %reduce_sum3A_39 = arith.constant dense<0.000000e+00> : vector<5000xf32>
    %reduce_sum3A_40 = vector.multi_reduction <add>, %mul3A, %reduce_sum3A_39 [1] : vector<5000x34xf32> to vector<5000xf32>
    %broadcast_in_dim3A_41 = vector.shape_cast %reduce_sum3A_40 : vector<5000xf32> to vector<5000x1xf32>
    %div3A_42 = arith.constant 3.400000e+01 : f32
    %div3A_43 = vector.broadcast %div3A_42 : f32 to vector<5000x1xf32>
    %div3A_44 = arith.divf %broadcast_in_dim3A_41, %div3A_43 : vector<5000x1xf32>
    %sub3A_45 = vector.broadcast %div3A_35 : vector<5000x1xf32> to vector<5000x34xf32>
    %sub3A_46 = arith.subf %add3A_31, %sub3A_45 : vector<5000x34xf32>
    %add3A_47 = arith.constant 9.99999974E-6 : f32
    %add3A_48 = vector.broadcast %add3A_47 : f32 to vector<5000x1xf32>
    %add3A_49 = arith.addf %div3A_44, %add3A_48 : vector<5000x1xf32>
    %rsqrt3A = math.rsqrt %add3A_49 : vector<5000x1xf32>
    %mul3A_50 = vector.broadcast %rsqrt3A : vector<5000x1xf32> to vector<5000x34xf32>
    %mul3A_51 = arith.mulf %sub3A_46, %mul3A_50 : vector<5000x34xf32>
    %get3A_52 = arith.constant 0 : index
    %get3A_53 = arith.constant 0 : index
    %get3A_54 = vector.load %arg7[%get3A_52, %get3A_53] : memref<1x34xf32, #tpu.memory_space<vmem>>, vector<1x34xf32>
    %mul3A_55 = vector.broadcast %get3A_54 : vector<1x34xf32> to vector<5000x34xf32>
    %mul3A_56 = arith.mulf %mul3A_51, %mul3A_55 : vector<5000x34xf32>
    %get3A_57 = arith.constant 0 : index
    %get3A_58 = arith.constant 0 : index
    %get3A_59 = vector.load %arg8[%get3A_57, %get3A_58] : memref<1x34xf32, #tpu.memory_space<vmem>>, vector<1x34xf32>
    %add3A_60 = vector.broadcast %get3A_59 : vector<1x34xf32> to vector<5000x34xf32>
    %add3A_61 = arith.addf %mul3A_56, %add3A_60 : vector<5000x34xf32>
    %get3A_62 = arith.constant 0 : index
    %get3A_63 = arith.constant 0 : index
    %get3A_64 = vector.load %arg9[%get3A_62, %get3A_63] : memref<34x34xf32, #tpu.memory_space<vmem>>, vector<34x34xf32>
    %dot_general3A_65 = arith.constant dense<0.000000e+00> : vector<5000x34xf32>
    %dot_general3A_66 = tpu.matmul %add3A_61, %get3A_64, %dot_general3A_65 {dimension_numbers = #tpu.dot_dimension_numbers<[1], [0], [0], [1], [0, 0, 1, 1], [], []>, transpose_lhs_hint = false} : vector<5000x34xf32>, vector<34x34xf32>, vector<5000x34xf32> -> vector<5000x34xf32>
    %get3A_67 = arith.constant 0 : index
    %get3A_68 = arith.constant 0 : index
    %get3A_69 = vector.load %arg10[%get3A_67, %get3A_68] : memref<1x34xf32, #tpu.memory_space<vmem>>, vector<1x34xf32>
    %add3A_70 = vector.broadcast %get3A_69 : vector<1x34xf32> to vector<5000x34xf32>
    %add3A_71 = arith.addf %dot_general3A_66, %add3A_70 : vector<5000x34xf32>
    %max3A_72 = arith.constant 0.000000e+00 : f32
    %max3A_73 = vector.broadcast %max3A_72 : f32 to vector<5000x34xf32>
    %max3A_74 = arith.maximumf %add3A_71, %max3A_73 : vector<5000x34xf32>
    %get3A_75 = arith.constant 0 : index
    %get3A_76 = arith.constant 0 : index
    %get3A_77 = vector.load %arg11[%get3A_75, %get3A_76] : memref<34x34xf32, #tpu.memory_space<vmem>>, vector<34x34xf32>
    %dot_general3A_78 = arith.constant dense<0.000000e+00> : vector<5000x34xf32>
    %dot_general3A_79 = tpu.matmul %max3A_74, %get3A_77, %dot_general3A_78 {dimension_numbers = #tpu.dot_dimension_numbers<[1], [0], [0], [1], [0, 0, 1, 1], [], []>, transpose_lhs_hint = false} : vector<5000x34xf32>, vector<34x34xf32>, vector<5000x34xf32> -> vector<5000x34xf32>
    %get3A_80 = arith.constant 0 : index
    %get3A_81 = arith.constant 0 : index
    %get3A_82 = vector.load %arg12[%get3A_80, %get3A_81] : memref<1x34xf32, #tpu.memory_space<vmem>>, vector<1x34xf32>
    %add3A_83 = vector.broadcast %get3A_82 : vector<1x34xf32> to vector<5000x34xf32>
    %add3A_84 = arith.addf %dot_general3A_79, %add3A_83 : vector<5000x34xf32>
    %get3A_85 = arith.constant 0 : index
    %get3A_86 = arith.constant 0 : index
    %get3A_87 = vector.load %arg13[%get3A_85, %get3A_86] : memref<34x34xf32, #tpu.memory_space<vmem>>, vector<34x34xf32>
    %dot_general3A_88 = arith.constant dense<0.000000e+00> : vector<5000x34xf32>
    %dot_general3A_89 = tpu.matmul %add3A_84, %get3A_87, %dot_general3A_88 {dimension_numbers = #tpu.dot_dimension_numbers<[1], [0], [0], [1], [0, 0, 1, 1], [], []>, transpose_lhs_hint = false} : vector<5000x34xf32>, vector<34x34xf32>, vector<5000x34xf32> -> vector<5000x34xf32>
    %get3A_90 = arith.constant 0 : index
    %get3A_91 = arith.constant 0 : index
    %get3A_92 = vector.load %arg14[%get3A_90, %get3A_91] : memref<1x34xf32, #tpu.memory_space<vmem>>, vector<1x34xf32>
    %add3A_93 = vector.broadcast %get3A_92 : vector<1x34xf32> to vector<5000x34xf32>
    %add3A_94 = arith.addf %dot_general3A_89, %add3A_93 : vector<5000x34xf32>
    %max3A_95 = arith.constant 0.000000e+00 : f32
    %max3A_96 = vector.broadcast %max3A_95 : f32 to vector<5000x34xf32>
    %max3A_97 = arith.maximumf %add3A_94, %max3A_96 : vector<5000x34xf32>
    %get3A_98 = arith.constant 0 : index
    %get3A_99 = arith.constant 0 : index
    %get3A_100 = vector.load %arg15[%get3A_98, %get3A_99] : memref<34x34xf32, #tpu.memory_space<vmem>>, vector<34x34xf32>
    %dot_general3A_101 = arith.constant dense<0.000000e+00> : vector<5000x34xf32>
    %dot_general3A_102 = tpu.matmul %max3A_97, %get3A_100, %dot_general3A_101 {dimension_numbers = #tpu.dot_dimension_numbers<[1], [0], [0], [1], [0, 0, 1, 1], [], []>, transpose_lhs_hint = false} : vector<5000x34xf32>, vector<34x34xf32>, vector<5000x34xf32> -> vector<5000x34xf32>
    %get3A_103 = arith.constant 0 : index
    %get3A_104 = arith.constant 0 : index
    %get3A_105 = vector.load %arg16[%get3A_103, %get3A_104] : memref<1x34xf32, #tpu.memory_space<vmem>>, vector<1x34xf32>
    %add3A_106 = vector.broadcast %get3A_105 : vector<1x34xf32> to vector<5000x34xf32>
    %add3A_107 = arith.addf %dot_general3A_102, %add3A_106 : vector<5000x34xf32>
    %max3A_108 = arith.constant 0.000000e+00 : f32
    %max3A_109 = vector.broadcast %max3A_108 : f32 to vector<5000x34xf32>
    %max3A_110 = arith.maximumf %add3A_107, %max3A_109 : vector<5000x34xf32>
    %get3A_111 = arith.constant 0 : index
    %get3A_112 = arith.constant 0 : index
    %get3A_113 = vector.load %arg17[%get3A_111, %get3A_112] : memref<34x2xf32, #tpu.memory_space<vmem>>, vector<34x2xf32>
    %dot_general3A_114 = arith.constant dense<0.000000e+00> : vector<5000x2xf32>
    %dot_general3A_115 = tpu.matmul %max3A_110, %get3A_113, %dot_general3A_114 {dimension_numbers = #tpu.dot_dimension_numbers<[1], [0], [0], [1], [0, 0, 1, 1], [], []>, transpose_lhs_hint = false} : vector<5000x34xf32>, vector<34x2xf32>, vector<5000x2xf32> -> vector<5000x2xf32>
    %get3A_116 = arith.constant 0 : index
    %get3A_117 = arith.constant 0 : index
    %get3A_118 = vector.load %arg18[%get3A_116, %get3A_117] : memref<1x2xf32, #tpu.memory_space<vmem>>, vector<1x2xf32>
    %add3A_119 = vector.broadcast %get3A_118 : vector<1x2xf32> to vector<5000x2xf32>
    %add3A_120 = arith.addf %dot_general3A_115, %add3A_119 : vector<5000x2xf32>
    %reduce_max3A = arith.constant dense<0xFF800000> : vector<5000xf32>
    %reduce_max3A_121 = vector.multi_reduction <maximumf>, %add3A_120, %reduce_max3A [1] : vector<5000x2xf32> to vector<5000xf32>
    %broadcast_in_dim3A_122 = vector.shape_cast %reduce_max3A_121 : vector<5000xf32> to vector<5000x1xf32>
    %sub3A_123 = vector.broadcast %broadcast_in_dim3A_122 : vector<5000x1xf32> to vector<5000x2xf32>
    %sub3A_124 = arith.subf %add3A_120, %sub3A_123 : vector<5000x2xf32>
    %exp3A = math.exp %sub3A_124 : vector<5000x2xf32>
    %reduce_sum3A_125 = arith.constant dense<0.000000e+00> : vector<5000xf32>
    %reduce_sum3A_126 = vector.multi_reduction <add>, %exp3A, %reduce_sum3A_125 [1] : vector<5000x2xf32> to vector<5000xf32>
    %broadcast_in_dim3A_127 = vector.shape_cast %reduce_sum3A_126 : vector<5000xf32> to vector<5000x1xf32>
    %div3A_128 = vector.broadcast %broadcast_in_dim3A_127 : vector<5000x1xf32> to vector<5000x2xf32>
    %div3A_129 = arith.divf %exp3A, %div3A_128 : vector<5000x2xf32>
    %swap3A = arith.constant 0 : index
    %swap3A_130 = arith.constant 0 : index
    %swap3A_131 = vector.load %arg19[%swap3A, %swap3A_130] : memref<5000x2xf32, #tpu.memory_space<vmem>>, vector<5000x2xf32>
    tpu.vector_store %arg19[%swap3A, %swap3A_130], %div3A_129 {strides = array<i32>} : memref<5000x2xf32, #tpu.memory_space<vmem>>, vector<5000x2xf32>,
    return
  }
  func.func @transform_0(%arg0: i32) -> (i32, i32) {
    %c0_i32 = arith.constant 0 : i32
    %c0_i32_0 = arith.constant 0 : i32
    return %arg0, %c0_i32 : i32, i32
  }
  func.func @transform_1(%arg0: i32) -> (i32, i32, i32) {
    %jit3A = arith.constant 10 : i32
    %div3A = arith.divsi %arg0, %jit3A : i32
    %sign3A = arith.constant 0 : i32
    %sign3A_0 = arith.cmpi sgt, %arg0, %sign3A : i32
    %sign3A_1 = arith.extui %sign3A_0 : i1 to i32
    %sign3A_2 = arith.constant 0 : i32
    %sign3A_3 = arith.cmpi slt, %arg0, %sign3A_2 : i32
    %sign3A_4 = arith.extui %sign3A_3 : i1 to i32
    %sign3A_5 = arith.subi %sign3A_1, %sign3A_4 : i32
    %sign3A_6 = arith.constant 0 : i32
    %sign3A_7 = arith.cmpi sgt, %jit3A, %sign3A_6 : i32
    %sign3A_8 = arith.extui %sign3A_7 : i1 to i32
    %sign3A_9 = arith.constant 0 : i32
    %sign3A_10 = arith.cmpi slt, %jit3A, %sign3A_9 : i32
    %sign3A_11 = arith.extui %sign3A_10 : i1 to i32
    %sign3A_12 = arith.subi %sign3A_8, %sign3A_11 : i32
    %ne3A = arith.cmpi ne, %sign3A_5, %sign3A_12 : i32
    %rem3A = arith.remsi %arg0, %jit3A : i32
    %ne3A_13 = arith.constant 0 : i32
    %ne3A_14 = arith.cmpi ne, %rem3A, %ne3A_13 : i32
    %and3A = arith.andi %ne3A, %ne3A_14 : i1
    %sub3A = arith.constant 1 : i32
    %sub3A_15 = arith.subi %div3A, %sub3A : i32
    %select_n3A = arith.select %and3A, %sub3A_15, %div3A : i32
    %jit3A_16 = arith.constant 10 : i32
    %eq3A = arith.constant 0 : i32
    %eq3A_17 = arith.cmpi eq, %jit3A_16, %eq3A : i32
    %jit3A_18 = arith.constant 1 : i32
    %select_n3A_19 = arith.select %eq3A_17, %jit3A_18, %jit3A_16 : i32
    %rem3A_20 = arith.remsi %arg0, %select_n3A_19 : i32
    %ne3A_21 = arith.constant 0 : i32
    %ne3A_22 = arith.cmpi ne, %rem3A_20, %ne3A_21 : i32
    %lt3A = arith.constant 0 : i32
    %lt3A_23 = arith.cmpi slt, %rem3A_20, %lt3A : i32
    %lt3A_24 = arith.constant 0 : i32
    %lt3A_25 = arith.cmpi slt, %select_n3A_19, %lt3A_24 : i32
    %ne3A_26 = arith.xori %lt3A_23, %lt3A_25 : i1
    %and3A_27 = arith.andi %ne3A_26, %ne3A_22 : i1
    %add3A = arith.addi %rem3A_20, %select_n3A_19 : i32
    %select_n3A_28 = arith.select %and3A_27, %add3A, %rem3A_20 : i32
    %c0_i32 = arith.constant 0 : i32
    %c0_i32_29 = arith.constant 0 : i32
    return %select_n3A, %select_n3A_28, %c0_i32 : i32, i32, i32
  }
  func.func @transform_2(%arg0: i32) -> (i32, i32) {
    %c0_i32 = arith.constant 0 : i32
    %c0_i32_0 = arith.constant 0 : i32
    %c0_i32_1 = arith.constant 0 : i32
    return %c0_i32, %c0_i32_0 : i32, i32
  }
  func.func @transform_3(%arg0: i32) -> (i32, i32) {
    %c0_i32 = arith.constant 0 : i32
    %c0_i32_0 = arith.constant 0 : i32
    %c0_i32_1 = arith.constant 0 : i32
    return %c0_i32, %c0_i32_0 : i32, i32
  }
  func.func @transform_4(%arg0: i32) -> (i32, i32) {
    %c0_i32 = arith.constant 0 : i32
    %c0_i32_0 = arith.constant 0 : i32
    %c0_i32_1 = arith.constant 0 : i32
    return %c0_i32, %c0_i32_0 : i32, i32
  }
  func.func @transform_5(%arg0: i32) -> (i32, i32) {
    %c0_i32 = arith.constant 0 : i32
    %c0_i32_0 = arith.constant 0 : i32
    %c0_i32_1 = arith.constant 0 : i32
    return %c0_i32, %c0_i32_0 : i32, i32
  }
  func.func @transform_6(%arg0: i32) -> (i32, i32) {
    %c0_i32 = arith.constant 0 : i32
    %c0_i32_0 = arith.constant 0 : i32
    %c0_i32_1 = arith.constant 0 : i32
    return %c0_i32, %c0_i32_0 : i32, i32
  }
  func.func @transform_7(%arg0: i32) -> (i32, i32) {
    %c0_i32 = arith.constant 0 : i32
    %c0_i32_0 = arith.constant 0 : i32
    %c0_i32_1 = arith.constant 0 : i32
    return %c0_i32, %c0_i32_0 : i32, i32
  }
  func.func @transform_8(%arg0: i32) -> (i32, i32) {
    %c0_i32 = arith.constant 0 : i32
    %c0_i32_0 = arith.constant 0 : i32
    %c0_i32_1 = arith.constant 0 : i32
    return %c0_i32, %c0_i32_0 : i32, i32
  }
  func.func @transform_9(%arg0: i32) -> (i32, i32) {
    %c0_i32 = arith.constant 0 : i32
    %c0_i32_0 = arith.constant 0 : i32
    %c0_i32_1 = arith.constant 0 : i32
    return %c0_i32, %c0_i32_0 : i32, i32
  }
  func.func @transform_10(%arg0: i32) -> (i32, i32) {
    %c0_i32 = arith.constant 0 : i32
    %c0_i32_0 = arith.constant 0 : i32
    %c0_i32_1 = arith.constant 0 : i32
    return %c0_i32, %c0_i32_0 : i32, i32
  }
  func.func @transform_11(%arg0: i32) -> (i32, i32) {
    %c0_i32 = arith.constant 0 : i32
    %c0_i32_0 = arith.constant 0 : i32
    %c0_i32_1 = arith.constant 0 : i32
    return %c0_i32, %c0_i32_0 : i32, i32
  }
  func.func @transform_12(%arg0: i32) -> (i32, i32) {
    %c0_i32 = arith.constant 0 : i32
    %c0_i32_0 = arith.constant 0 : i32
    %c0_i32_1 = arith.constant 0 : i32
    return %c0_i32, %c0_i32_0 : i32, i32
  }
  func.func @transform_13(%arg0: i32) -> (i32, i32) {
    %c0_i32 = arith.constant 0 : i32
    %c0_i32_0 = arith.constant 0 : i32
    %c0_i32_1 = arith.constant 0 : i32
    return %c0_i32, %c0_i32_0 : i32, i32
  }
  func.func @transform_14(%arg0: i32) -> (i32, i32) {
    %c0_i32 = arith.constant 0 : i32
    %c0_i32_0 = arith.constant 0 : i32
    %c0_i32_1 = arith.constant 0 : i32
    return %c0_i32, %c0_i32_0 : i32, i32
  }
  func.func @transform_15(%arg0: i32) -> (i32, i32) {
    %c0_i32 = arith.constant 0 : i32
    %c0_i32_0 = arith.constant 0 : i32
    %c0_i32_1 = arith.constant 0 : i32
    return %c0_i32, %c0_i32_0 : i32, i32
  }
  func.func @transform_16(%arg0: i32) -> (i32, i32) {
    %c0_i32 = arith.constant 0 : i32
    %c0_i32_0 = arith.constant 0 : i32
    %c0_i32_1 = arith.constant 0 : i32
    return %c0_i32, %c0_i32_0 : i32, i32
  }
  func.func @transform_17(%arg0: i32) -> (i32, i32) {
    %c0_i32 = arith.constant 0 : i32
    %c0_i32_0 = arith.constant 0 : i32
    %c0_i32_1 = arith.constant 0 : i32
    return %c0_i32, %c0_i32_0 : i32, i32
  }
  func.func @transform_18(%arg0: i32) -> (i32, i32) {
    %c0_i32 = arith.constant 0 : i32
    %c0_i32_0 = arith.constant 0 : i32
    return %arg0, %c0_i32 : i32, i32
  }
}

</mosaic_0001>

<sc_bundles>
// kernel: kernel.5.cloned.1.call-start
scs
__scs_entry_jumppad:
0x0: {  	(pc) =	sbr.rel $0x88, $3  }
0x1: {  	(tag) =	ssettag $0x0;
	lr =	simm.s32 $0x1  }
0x2: {  	[smem:$0x3F87] =	sst lr;
	_ =	strace $0xD0000000  }
0x3: {  	_ = 	snop  }
0x4: {  	_ = 	snop  }
0x5: {  	_ = 	snop  }
0x6: {  	_ = 	snop  }
0x7: {  	_ = 	snop  }
__scs_overlays_trampoline_lowered:
0x8: {  	[smem:$0x3F96] =	sst s0  }
0x9: {  	[smem:$0x3F97] =	sst s1  }
0xa: {  	[smem:$0x3F98] =	sst s2  }
0xb: {  	[smem:$0x3F99] =	sst s3  }
0xc: {  	[smem:$0x3F9A] =	sst s4  }
0xd: {  	[smem:$0x3F9B] =	sst s5  }
0xe: {  	[smem:$0x3F9C] =	sst s6  }
0xf: {  	[smem:$0x3F9D] =	sst s7  }
0x10: {  	[smem:$0x3F9E] =	sst s8  }
0x11: {  	[smem:$0x3F9F] =	sst s9;
	s0 =	simm.s32 @!p0 $0x0  }
0x12: {  	s1 =	sld [smem:$0x3F85];
	s0 =	simm.s32 @p0 $0x1  }
0x13: {  	[smem:$0x3FA0] =	sst s0;
	s0 =	simm.s32 @!p1 $0x0  }
0x14: {  	s2 =	sld [smem:$0x3F84];
	s0 =	simm.s32 @p1 $0x1  }
0x15: {  	[smem:$0x3FA1] =	sst s0;
	s0 =	simm.s32 @!p2 $0x0  }
0x16: {  	s3 =	sld [smem:$0x3FDB];
	s0 =	simm.s32 @p2 $0x1  }
0x17: {  	s4 =	simm.s32 $0x1BF5;
	[smem:$0x3FA3] =	sst s0  }
0x18: {  	s0 =	sld [smem:$0x3F86];
	_ =	swait.ge [sflag:s4], $0x0  }
0x19: {  	s7 =	sld [smem:$0x3F87]  }
0x1a: {  	s8 =	sadd.s32 $0xFFFFE003, lr  }
0x1b: {  	s9 =	sadd.s32 $0xFFFFFEF7, lr;
	s5 =	simm.s32 $0xFFFFFFFF;
	p2 =	slt.u32 s8, $0xFFFFF086  }
0x1c: {  	p1 =	slt.u32 s9, $0xF7A;
	s5 =	simm.s32 @!p2 $0x0  }
0x1d: {  	s5 =	simm.s32 @p1 $0x1;
	p0 =	seq.s32 s7, s2  }
0x1e: {  	s7 =	smul.u32 @!p0 $0xF7A, s2;
	p2 =	seq.s32 @!p0 s5, $0x0  }
0x1f: {  	s9 =	smul.u32 $0xF7A, s1;
	s8 =	simm.s32 @!p0 $0x1BF5;
	p2 =	por !p2, p0  }
0x20: {  	[sflag:s8] =	ssyncset.s32 @!p0 $0xFFFFF086;
	s6 =	sadd.s32 @!p0 s3, s7;
	s7 =	simm.s32 @!p0 $0x108  }
0x21: {  	s3 =	sadd.s32 s3, s9;
	s6 =	sadd.s32 @!p0 $0x88, s6;
	s7 =	simm.s32 @p2 $0x1082  }
0x22: {  	[simem:s7], [sflag:s8] =	dma.local @!p0 [hbm:s6], $0xF7A  }
0x23: {  	s9 =	sor.u32 $0xD0000000, s2;
	s6 =	simm.s32 $0x108;
	_ =	swait.ge @!p0 [sflag:s8], $0x0  }
0x24: {  	s3 =	sadd.s32 $0x88, s3;
	s6 =	simm.s32 @!p1 $0x1082;
	[sflag:s4] =	ssyncset.s32 $0xFFFFF086  }
0x25: {  	[simem:s6], [sflag:s4] =	dma.local [hbm:s3], $0xF7A  }
0x26: {  	[smem:$0x3F87] =	sst s1;
	(tag) =	ssettag s2;
	_ =	strace s9  }
0x27: {  	s1 =	sld [smem:$0x3F97]  }
0x28: {  	s2 =	sld [smem:$0x3F98]  }
0x29: {  	s4 =	sld [smem:$0x3F9A]  }
0x2a: {  	p0 =	seq.s32 s5, $0x0;
	s5 =	sld [smem:$0x3F9B]  }
0x2b: {  	s6 =	sld [smem:$0x3F9C]  }
0x2c: {  	s7 =	sld [smem:$0x3F9D]  }
0x2d: {  	s3 =	simm.s32 $0x108;
	s8 =	sld [smem:$0x3F9E]  }
0x2e: {  	s3 =	simm.s32 @!p0 $0x1082;
	s9 =	sld [smem:$0x3F9F]  }
0x2f: {  	lr =	sadd.s32 s0, s3;
	s0 =	sld [smem:$0x3F96]  }
0x30: {  	s3 =	sld [smem:$0x3F99]  }
0x31: {  	[smem:$0x3FA2] =	sst s10  }
0x32: {  	s10 =	sld [smem:$0x3FA0];
	_ =	sdelay $0x3  }
0x33: {  	p0 =	seq.s32 s10, $0x1;
	s10 =	sld [smem:$0x3FA2];
	_ =	sdelay $0x3  }
0x34: {  	[smem:$0x3FA2] =	sst s10  }
0x35: {  	s10 =	sld [smem:$0x3FA1];
	_ =	sdelay $0x3  }
0x36: {  	p1 =	seq.s32 s10, $0x1;
	s10 =	sld [smem:$0x3FA2];
	_ =	sdelay $0x3  }
0x37: {  	[smem:$0x3FA2] =	sst s10  }
0x38: {  	s10 =	sld [smem:$0x3FA3]  }
0x39: {  	_ = 	snop;
	(pc) =	sbr.ind lr, $3  }
0x3a: {  	_ = 	snop  }
0x3b: {  	_ = 	snop  }
0x3c: {  	p2 =	seq.s32 s10, $0x1;
	s10 =	sld [smem:$0x3FA2]  }
0x3d: {  	_ =	shalt  }
0x3e: {  	_ =	shalt  }
0x3f: {  	_ =	shalt  }
0x40: {  	_ =	shalt  }
0x41: {  	_ =	shalt  }
0x42: {  	_ =	shalt  }
0x43: {  	_ =	shalt  }
0x44: {  	_ =	shalt  }
0x45: {  	_ =	shalt  }
0x46: {  	_ =	shalt  }
0x47: {  	_ =	shalt  }
0x48: {  	_ =	shalt  }
0x49: {  	_ =	shalt  }
0x4a: {  	_ =	shalt  }
0x4b: {  	_ =	shalt  }
0x4c: {  	_ =	shalt  }
0x4d: {  	_ =	shalt  }
0x4e: {  	_ =	shalt  }
0x4f: {  	_ =	shalt  }
0x50: {  	_ =	shalt  }
0x51: {  	_ =	shalt  }
0x52: {  	_ =	shalt  }
0x53: {  	_ =	shalt  }
0x54: {  	_ =	shalt  }
0x55: {  	_ =	shalt  }
0x56: {  	_ =	shalt  }
0x57: {  	_ =	shalt  }
0x58: {  	_ =	shalt  }
0x59: {  	_ =	shalt  }
0x5a: {  	_ =	shalt  }
0x5b: {  	_ =	shalt  }
0x5c: {  	_ =	shalt  }
0x5d: {  	_ =	shalt  }
0x5e: {  	_ =	shalt  }
0x5f: {  	_ =	shalt  }
0x60: {  	_ =	shalt  }
0x61: {  	_ =	shalt  }
0x62: {  	_ =	shalt  }
0x63: {  	_ =	shalt  }
0x64: {  	_ =	shalt  }
0x65: {  	_ =	shalt  }
0x66: {  	_ =	shalt  }
0x67: {  	_ =	shalt  }
0x68: {  	_ =	shalt  }
0x69: {  	_ =	shalt  }
0x6a: {  	_ =	shalt  }
0x6b: {  	_ =	shalt  }
0x6c: {  	_ =	shalt  }
0x6d: {  	_ =	shalt  }
0x6e: {  	_ =	shalt  }
0x6f: {  	_ =	shalt  }
0x70: {  	_ =	shalt  }
0x71: {  	_ =	shalt  }
0x72: {  	_ =	shalt  }
0x73: {  	_ =	shalt  }
0x74: {  	_ =	shalt  }
0x75: {  	_ =	shalt  }
0x76: {  	_ =	shalt  }
0x77: {  	_ =	shalt  }
0x78: {  	_ =	shalt  }
0x79: {  	_ =	shalt  }
0x7a: {  	_ =	shalt  }
0x7b: {  	_ =	shalt  }
0x7c: {  	_ =	shalt  }
0x7d: {  	_ =	shalt  }
0x7e: {  	_ =	shalt  }
0x7f: {  	_ =	shalt  }
0x80: {  	_ =	shalt  }
0x81: {  	_ =	shalt  }
0x82: {  	_ =	shalt  }
0x83: {  	_ =	shalt  }
0x84: {  	_ =	shalt  }
0x85: {  	_ =	shalt  }
0x86: {  	_ =	shalt  }
0x87: {  	_ =	shalt  }
.Lfunc_end0:
.L_simem_size_0:
called_computation_lowered:
.L_overlay_start_0:
0x88: {  	s2 =	sld [smem:$0x3FD9]  }
0x89: {  	s3 =	sld [smem:$0x3FFE];
	_ =	sdelay $0x1  }
0x8a: {  	s1 =	srdreg.scid  }
0x8b: {  	s0 =	sand.u32 $0x1, s1  }
0x8c: {  	s17 =	sshll.u32 s0, $0xA;
	s2 =	sadd.s32 s3, s2  }
0x8d: {  	s2 =	sadd.s32 s2, s17  }
0x8e: {  	[smem:$0x3FAE] =	sst s2  }
0x8f: {  	_ = 	snop  }
0x90: {  	s2 =	sld [smem:$0x3FD0];
	(tm) =	ssettm $0x1  }
0x91: {  	s18 =	sld [smem:$0x3FFB];
	_ =	sdelay $0x3  }
0x92: {  	_ =	strace s18  }
0x93: {  	s3 =	sld [smem:$0x3FFC];
	_ =	sdelay $0x3  }
0x94: {  	_ =	strace s3  }
0x95: {  	s3 =	sld [smem:$0x3FFD];
	_ =	sdelay $0x3  }
0x96: {  	_ =	strace s3  }
0x97: {  	_ =	strace $0x8FFFFFFF  }
0x98: {  	s19 =	sld [smem:$0x3FDB];
	_ =	sdelay $0x1  }
0x99: {  	s4 =	simm.s32 $_scs_section_size  }
0x9a: {  	s5 =	simm.s32 $_size__tile_overlayer_lowered;
	s6 =	simm.s32 $_tile_overlayer_lowered  }
0x9b: {  	s22 =	simm.s32 $0x1BFF;
	s21 =	sshll.u32 s6, $0x1;
	s3 =	sadd.s32 s4, s19  }
0x9c: {  	s7 =	simm.s32 $0x0;
	s20 =	sshll.u32 s5, $0x1;
	s5 =	sadd.s32 s21, s3  }
0x9d: {  	[timem:s7], [sflag:s22] =	dma.local [hbm:s5], s20  }
0x9e: {  	_ =	swait.ge [sflag:s22], s20  }
0x9f: {  	s4 =	ssub.s32 $0x0, s20;
	[sflag:s22] =	ssyncset.done $0x0  }
0xa0: {  	[sflag:s22] =	ssyncadd.s32 s4;
	_ =	sdelay $0x1  }
0xa1: {  	s23 =	simm.s32 $0x1B8B  }
0xa2: {  	_ =	swait.ge [sflag:s23], $0x1  }
0xa3: {  	[sflag:s23] =	ssyncset.done $0x0  }
0xa4: {  	s25 =	simm.s32 $0x1B8E;
	s24 =	sld [smem:$0x3FFE];
	[sflag:s23] =	ssyncadd.s32 $0xFFFFFFFF  }
0xa5: {  	s26 =	simm.s32 $execute0_lowered;
	[smem:$0x3FD2] =	sst s25  }
0xa6: {  	s5 =	sshll.u32 s26, $0x1;
	_ =	strace $0x80000046;
	[dreg:$0x1] =	wrdreg $0xFFFFFFFF  }
0xa7: {  	s28 =	simm.s32 $_size_execute0_lowered;
	s3 =	sadd.s32 s3, s5;
	[dreg:$0x0] =	wrdreg $0x0  }
0xa8: {  	s5 =	sshll.u32 s28, $0x1;
	[dreg:$0x2] =	wrdreg s3  }
0xa9: {  	[dreg:$0x3] =	wrdreg s5  }
0xaa: {  	[dreg:$0x4] =	wrdreg $0xC0  }
0xab: {  	_ =	task [dreg:s7], $0x5FFFF  }
0xac: {  	[dreg:$0x1] =	wrdreg $0xFFFFFFFF  }
0xad: {  	[dreg:$0x0] =	wrdreg $0x60  }
0xae: {  	[dreg:$0x2] =	wrdreg s24  }
0xaf: {  	[dreg:$0x3] =	wrdreg s2  }
0xb0: {  	[dreg:$0x4] =	wrdreg $0x15800  }
0xb1: {  	[dreg:$0x5] =	wrdreg $0x9  }
0xb2: {  	_ =	task.clear_ibuf [dreg:s7], $0x6FFFF;
	_ =	strace $0x90000046  }
0xb3: {  	s29 =	simm.s32 $0x9;
	_ =	strace $0x80000048  }
0xb4: {  	_ =	swait.ge [sflag:s29], $0x1  }
0xb5: {  	[sflag:s29] =	ssyncadd.s32 $0xFFFFFFFF  }
0xb6: {  	_ =	strace $0x90000048  }
0xb7: {  	_ =	sfence  }
0xb8: {  	s30 =	sld [smem:$0x0];
	_ =	sdelay $0x2  }
0xb9: {  	s31 =	sshll.u32 s1, $0xD;
	s1 =	sshrl.u32 s1, $0x2  }
0xba: {  	s3 =	sand.u32 $0x4000, s31;
	s1 =	sadd.s32 s1, s30  }
0xbb: {  	s0 =	sor.u32 s3, s0;
	s1 =	sshll.u32 s1, $0x11  }
0xbc: {  	s0 =	sor.u32 s1, s0  }
0xbd: {  	s0 =	sadd.s32 $0x8F2B, s0  }
0xbe: {  	[sflag:s0] =	ssyncadd.remote.s32 $0x1  }
0xbf: {  	_ =	sfence.sel $0xFFFF  }
0xc0: {  	[dreg:$0x0] =	wrdreg $0xFFFFFFFF;
	(pc) =	sbr.abs _section_cstart, $3  }
0xc1: {  	[dreg:$0x1] =	wrdreg $0xFFFFFFFF  }
0xc2: {  	_ =	task.clear_ibuf [dreg:s7], $0x2FFFF;
	_ =	strace $0x9FFFFFFF  }
0xc3: {  	(tm) =	ssettm $0x7FFFFFFF  }
tec
execute0_lowered:
.L_overlay_start_1:
0x0: {  	(tag) =	ssettag $0x1  }
0x1: {  	s6 =	rddreg [dreg:$0x0]  }
0x2: {  	s2 =	rddreg [dreg:$0x1];
	s1 =	srdreg.scid  }
0x3: {  	s0 =	stileid.u32;
	s3 =	rddreg [dreg:$0x2]  }
0x4: {  	s4 =	simm.s32 $0x0;
	s14 =	simm.s32 $0x80;
	s15 =	simm.s32 $0x180  }
0x5: {  	s7 =	sand.u32 $0x1, s1;
	s8 =	smul.u32 $0x1E8C0, s0;
	s1 =	rddreg [dreg:$0x3]  }
0x6: {  	s18 =	simm.s32 $0x0;
	[smem:$0x7FF] =	sst s4;
	s12 =	smul.u32 $0x186A0, s0  }
0x7: {  	s11 =	sadd.s32 $0x7E800, s6;
	s28 =	sshll.u32 s0, $0x6;
	s31 =	smul.u32 $0x30D4, s0  }
0x8: {  	s5 =	smul.u32 $0x1E8C00, s7;
	_ =	strace $0x80000047;
	s10 =	ssub.s32 $0x2, s7  }
0x9: {  	s16 =	smul.u32 $0xC350, s7;
	s26 =	sshrl.u32 s10, $0x1;
	s13 =	sadd.s32 s8, s3  }
0xa: {  	s29 =	sshrl.u32 s12, $0x3;
	s9 =	sadd.s32 s8, s5;
	s5 =	sadd.s32 $0x4600, s6  }
0xb: {  	s10 =	ssub.s32 s10, s26;
	s17 =	sadd.s32 $0xC350, s16;
	s30 =	sadd.s32 s11, s29  }
0xc: {  	s11 =	sadd.s32 s31, s11;
	s12 =	sshrl.u32 s13, $0x3;
	s13 =	simm.s32 $0x2  }
0xd: {  	v0 =	vmov s16;
	s16 =	simm.s32 $0x1;
	s9 =	sshrl.u32 s9, $0x3;
	s7 =	sadd.s32 $0x30C4, s30  }
0xe: {  	s8 =	sadd.s32 $0x33E04, s30;
	s10 =	smax.u32 s10, $0x1;
	s9 =	sadd.s32 s9, s6  }
0xf: {  	v2 =	vimm.s32 $0xC350;
	v1 =	vmov s17;
	s17 =	simm.s32 $0x100;
	s6 =	sor.u32 $0x1C02, s28;
	s9 =	sadd.s32 $0xE0400, s9  }
.LBB2_1:
0x10: {  	[spmem:s12], [sflag:s6] =	dma.local [hbm:s2], $0x3D18  }
0x11: {  	_ =	swait.ge [sflag:s13], $0x3D18  }
0x12: {  	[sflag:s13] =	ssyncset.done $0x0  }
0x13: {  	[sflag:s13] =	ssyncadd.s32 $0xFFFFC2E8  }
0x14: {  	s19 =	sadd.s32 $0x0, s11;
	[bflag:$0x0] =	sbarrier.arrive $0xFFFF  }
0x15: {  	[tilespmem:s4], [sflag:$0x2] =	stream.linear.gather [hbm4b:s19+s4], $0x80, $0x38;
	[tilespmem:$0x1FE40] =	vst v63  }
0x16: {  	_ =	swait.ge [sflag:s13], $0x80  }
0x17: {  	[sflag:s13] =	ssyncset.done $0x0  }
0x18: {  	s19 =	sadd.s32 $0x30D40, s19;
	[sflag:s13] =	ssyncadd.s32 $0xFFFFFF80  }
0x19: {  	[tilespmem:s14], [sflag:$0x2] =	stream.linear.gather [hbm4b:s19+s4], $0x80, $0x38;
	[tilespmem:$0x1FE40] =	vst v63  }
0x1a: {  	s19 =	simm.s32 $0x10  }
.LBB2_2:
0x1b: {  	p0 =	sne.s32 s19, $0x30C0  }
0x1c: {  	_ =	swait.ge [sflag:s13], $0x80;
	s20 =	smov.u32 s19;
	s19 =	sadd.s32 $0x10, s19  }
0x1d: {  	[sflag:s13] =	ssyncset.done $0x0  }
0x1e: {  	[sflag:s13] =	ssyncadd.s32 $0xFFFFFF80  }
0x1f: {  	[tilespmem:s15], [sflag:$0x1] =	stream.indirect.gather [hbm4b:s5+s14], $0x28, s4, s14, $0xb8;
	[tilespmem:$0x1FE40] =	vst v63  }
0x20: {  	_ =	swait.ge [sflag:s16], $0x1400  }
0x21: {  	[sflag:s16] =	ssyncset.done $0x0  }
0x22: {  	[sflag:s16] =	ssyncadd.s32 $0xFFFFEC00  }
0x23: {  	v3 =	vld [tilespmem:$0xD0]  }
0x24: {  	v4 =	vld [tilespmem:$0xB0]  }
0x25: {  	v5 =	vld [tilespmem:$0xC0]  }
0x26: {  	v6 =	vld [tilespmem:$0xA0]  }
0x27: {  	v7 =	vld [tilespmem:$0xF0]  }
0x28: {  	v8 =	vld [tilespmem:$0xE0]  }
0x29: {  	v9 =	vld [tilespmem:$0x80];
	vm0 =	vge.s32 v4, v0;
	vm1 =	vlt.s32 v4, v1;
	v4 =	vsub.s32 v4, v0  }
0x2a: {  	vm3 =	vlt.s32 v3, v1;
	v11 =	vsub.s32 v3, v0;
	v10 =	vld [tilespmem:$0x90];
	vm2 =	vlt.s32 v5, v1  }
0x2b: {  	vm5 =	vge.s32 v3, v0;
	vm4 =	vge.s32 v5, v0;
	v12 =	vsub.s32 v6, v0  }
0x2c: {  	vm3 =	vmand vm5, vm3;
	vm6 =	vge.s32 v6, v0;
	vm2 =	vmand vm4, vm2  }
0x2d: {  	v3 =	vsub.s32 v5, v0;
	v5 =	vnsel vm3, $0xC350, v11;
	vm3 =	vlt.s32 v7, v1  }
0x2e: {  	v3 =	vnsel vm2, $0xC350, v3;
	vm2 =	vge.s32 v8, v0;
	v11 =	vsub.s32 v8, v0  }
0x2f: {  	vm4 =	vlt.s32 v6, v1;
	vm7 =	vge.s32 v7, v0;
	vm5 =	vlt.s32 v8, v1;
	[tilespmem:$0x150] =	vst v5  }
0x30: {  	vm3 =	vmand vm7, vm3;
	vm2 =	vmand vm2, vm5;
	vm8 =	vge.s32 v10, v0  }
0x31: {  	vm0 =	vmand vm0, vm1;
	v5 =	vsub.s32 v10, v0;
	[tilespmem:$0x140] =	vst v3;
	v3 =	vnsel vm2, $0xC350, v11  }
0x32: {  	v4 =	vnsel vm0, $0xC350, v4;
	vm1 =	vlt.s32 v9, v1;
	vm2 =	vmand vm6, vm4;
	[tilespmem:$0x160] =	vst v3  }
0x33: {  	vm0 =	vlt.s32 v10, v1;
	v3 =	vnsel vm2, $0xC350, v12;
	[tilespmem:$0x130] =	vst v4;
	v4 =	vsub.s32 v7, v0  }
0x34: {  	vm0 =	vmand vm8, vm0;
	vm2 =	vge.s32 v9, v0;
	[tilespmem:$0x120] =	vst v3;
	v3 =	vnsel vm3, $0xC350, v4  }
0x35: {  	v5 =	vnsel vm0, $0xC350, v5;
	vm1 =	vmand vm2, vm1;
	v4 =	vsub.s32 v9, v0;
	[tilespmem:$0x170] =	vst v3  }
0x36: {  	v3 =	vnsel vm1, $0xC350, v4;
	[tilespmem:$0x110] =	vst v5  }
0x37: {  	[tilespmem:$0x100] =	vst v3  }
0x38: {  	[spmem:s3] =	stream.indirect.scatter.add.f32 [tilespmem:s15], [sflag:$0x2], $0x28, s17, s14, $0xb8;
	[tilespmem:$0x1FE40] =	vst v63  }
0x39: {  	_ =	swait.ge [sflag:s13], $0x1400  }
0x3a: {  	[sflag:s13] =	ssyncset.done $0x0  }
0x3b: {  	s20 =	sadd.s32 s20, s11;
	[sflag:s13] =	ssyncadd.s32 $0xFFFFEC00  }
0x3c: {  	[tilespmem:s4], [sflag:$0x2] =	stream.linear.gather [hbm4b:s20+s4], $0x80, $0x38;
	[tilespmem:$0x1FE40] =	vst v63  }
.Ltmp0:
0x3d: {  	_ = 	snop;
	(pc) =	sbr.rel @p0 .LBB2_2-.Ltmp0, $4  }
0x3e: {  	_ =	swait.ge [sflag:s13], $0x80  }
0x3f: {  	[sflag:s13] =	ssyncset.done $0x0  }
0x40: {  	s20 =	sadd.s32 $0x30D40, s20;
	[sflag:s13] =	ssyncadd.s32 $0xFFFFFF80  }
0x41: {  	[tilespmem:s14], [sflag:$0x2] =	stream.linear.gather [hbm4b:s20+s4], $0x80, $0x38;
	[tilespmem:$0x1FE40] =	vst v63  }
0x42: {  	_ =	swait.ge [sflag:s13], $0x80  }
0x43: {  	[sflag:s13] =	ssyncset.done $0x0  }
0x44: {  	[sflag:s13] =	ssyncadd.s32 $0xFFFFFF80  }
0x45: {  	[tilespmem:s15], [sflag:$0x1] =	stream.indirect.gather [hbm4b:s5+s14], $0x28, s4, s14, $0xb8;
	[tilespmem:$0x1FE40] =	vst v63  }
0x46: {  	_ =	swait.ge [sflag:s16], $0x1400  }
0x47: {  	[sflag:s16] =	ssyncset.done $0x0  }
0x48: {  	[sflag:s16] =	ssyncadd.s32 $0xFFFFEC00  }
0x49: {  	v3 =	vld [tilespmem:$0xD0]  }
0x4a: {  	v4 =	vld [tilespmem:$0xB0]  }
0x4b: {  	v5 =	vld [tilespmem:$0xC0]  }
0x4c: {  	v6 =	vld [tilespmem:$0xA0]  }
0x4d: {  	v7 =	vld [tilespmem:$0xF0]  }
0x4e: {  	v8 =	vld [tilespmem:$0xE0]  }
0x4f: {  	vm0 =	vge.s32 v4, v0;
	vm1 =	vlt.s32 v4, v1;
	v4 =	vsub.s32 v4, v0  }
0x50: {  	v10 =	vld [tilespmem:$0x90];
	vm2 =	vlt.s32 v5, v1;
	vm3 =	vlt.s32 v3, v1;
	v9 =	vsub.s32 v3, v0  }
0x51: {  	v11 =	vsub.s32 v6, v0;
	vm4 =	vge.s32 v5, v0;
	vm5 =	vge.s32 v3, v0  }
0x52: {  	vm6 =	vge.s32 v6, v0;
	v5 =	vsub.s32 v5, v0;
	vm12 =	vlt.s32 v7, v1  }
0x53: {  	vm13 =	vge.s32 v8, v0;
	v12 =	vsub.s32 v8, v0;
	vm14 =	vlt.s32 v6, v1  }
0x54: {  	vm15 =	vlt.s32 v8, v1;
	vm7 =	vge.s32 v7, v0;
	vm3 =	vmand vm5, vm3  }
0x55: {  	v3 =	vld [tilespmem:$0x80];
	vm8 =	vge.s32 v10, v0;
	vm2 =	vmand vm4, vm2;
	v9 =	vnsel vm3, $0xC350, v9  }
0x56: {  	v58 =	vsub.s32 v10, v0;
	vm0 =	vmand vm0, vm1;
	v5 =	vnsel vm2, $0xC350, v5;
	[tilespmem:$0x150] =	vst v9  }
0x57: {  	vm9 =	vlt.s32 v10, v1;
	vm2 =	vmand vm13, vm15;
	v4 =	vnsel vm0, $0xC350, v4;
	[tilespmem:$0x140] =	vst v5  }
0x58: {  	vm3 =	vmand vm7, vm12;
	vm7 =	vmand vm6, vm14;
	v59 =	vnsel vm2, $0xC350, v12;
	[tilespmem:$0x130] =	vst v4  }
0x59: {  	v61 =	vsub.s32 v7, v0;
	vm0 =	vmand vm8, vm9;
	v60 =	vnsel vm7, $0xC350, v11;
	[tilespmem:$0x160] =	vst v59  }
0x5a: {  	v4 =	vnsel vm3, $0xC350, v61;
	[tilespmem:$0x120] =	vst v60;
	vm5 =	vlt.s32 v3, v1;
	vm10 =	vge.s32 v3, v0  }
0x5b: {  	v62 =	vnsel vm0, $0xC350, v58;
	[tilespmem:$0x170] =	vst v4;
	v3 =	vsub.s32 v3, v0;
	vm1 =	vmand vm10, vm5  }
0x5c: {  	[tilespmem:$0x110] =	vst v62;
	v3 =	vnsel vm1, $0xC350, v3  }
0x5d: {  	[tilespmem:$0x100] =	vst v3  }
0x5e: {  	[spmem:s3] =	stream.indirect.scatter.add.f32 [tilespmem:s15], [sflag:$0x2], $0x28, s17, s14, $0xb8;
	[tilespmem:$0x1FE40] =	vst v63  }
0x5f: {  	_ =	swait.ge [sflag:s13], $0x1400  }
0x60: {  	[sflag:s13] =	ssyncset.done $0x0  }
0x61: {  	[sflag:s13] =	ssyncadd.s32 $0xFFFFEC00  }
0x62: {  	[tilespmem:s4], [sflag:$0x2] =	stream.linear.gather [hbm4b:s7+s4], $0x80, $0x38;
	[tilespmem:$0x1FE40] =	vst v63  }
0x63: {  	_ =	swait.ge [sflag:s13], $0x80  }
0x64: {  	[sflag:s13] =	ssyncset.done $0x0  }
0x65: {  	[sflag:s13] =	ssyncadd.s32 $0xFFFFFF80  }
0x66: {  	[tilespmem:s14], [sflag:$0x2] =	stream.linear.gather [hbm4b:s8+s4], $0x80, $0x38;
	[tilespmem:$0x1FE40] =	vst v63  }
0x67: {  	_ =	swait.ge [sflag:s13], $0x80  }
0x68: {  	[sflag:s13] =	ssyncset.done $0x0  }
0x69: {  	[sflag:s13] =	ssyncadd.s32 $0xFFFFFF80  }
0x6a: {  	[tilespmem:s15], [sflag:$0x1] =	stream.indirect.gather [hbm4b:s5+s14], $0x28, s4, s14, $0xb8;
	[tilespmem:$0x1FE40] =	vst v63  }
0x6b: {  	_ =	swait.ge [sflag:s16], $0x1400  }
0x6c: {  	[sflag:s16] =	ssyncset.done $0x0  }
0x6d: {  	[sflag:s16] =	ssyncadd.s32 $0xFFFFEC00  }
0x6e: {  	v3 =	vld [tilespmem:$0xE0]  }
0x6f: {  	v63 =	vld [tilespmem:$0xF0]  }
0x70: {  	[tilespmem:$0x100] =	vst v2  }
0x71: {  	[tilespmem:$0x110] =	vst v2  }
0x72: {  	[tilespmem:$0x120] =	vst v2  }
0x73: {  	[tilespmem:$0x130] =	vst v2;
	vm11 =	vge.s32 v3, v0;
	vm12 =	vlt.s32 v3, v1;
	v3 =	vsub.s32 v3, v0  }
0x74: {  	[tilespmem:$0x140] =	vst v2;
	vm13 =	vge.s32 v63, v0;
	vm14 =	vlt.s32 v63, v1;
	vm0 =	vmand vm11, vm12  }
0x75: {  	[tilespmem:$0x150] =	vst v2;
	v4 =	vsub.s32 v63, v0;
	vm15 =	vmand vm13, vm14;
	v3 =	vnsel vm0, $0xC350, v3  }
0x76: {  	[tilespmem:$0x160] =	vst v3;
	v3 =	vnsel vm15, $0xC350, v4  }
0x77: {  	[tilespmem:$0x170] =	vst v3  }
0x78: {  	[spmem:s3] =	stream.indirect.scatter.add.f32 [tilespmem:s15], [sflag:$0x2], $0x28, s17, s14, $0xb8;
	[tilespmem:$0x1FE40] =	vst v63  }
0x79: {  	_ =	swait.ge [sflag:s13], $0x1400  }
0x7a: {  	s18 =	sadd.s32 $0x1, s18;
	[sflag:s13] =	ssyncset.done $0x0  }
0x7b: {  	p0 =	sne.s32 s18, s10;
	[sflag:s13] =	ssyncadd.s32 $0xFFFFEC00  }
.Ltmp1:
0x7c: {  	[bflag:$0x0] =	sbarrier.arrive $0xFFFF;
	(pc) =	sbr.rel @p0 .LBB2_1-.Ltmp1, $4  }
0x7d: {  	[hbm:s9], [sflag:s6] =	dma.local [spmem:s12], $0x3D18  }
0x7e: {  	_ =	swait.ge [sflag:s13], $0x3D18  }
0x7f: {  	[sflag:s13] =	ssyncset.done $0x0  }
0x80: {  	[sflag:s13] =	ssyncadd.s32 $0xFFFFC2E8  }
0x81: {  	_ =	sfence.sel $0x180000  }
0x82: {  	[bflag:$0x0] =	sbarrier.arrive $0xFFFF  }
0x83: {  	p0 =	sne.s32 s0, $0x0;
	_ =	strace $0x90000047  }
0x84: {  	s0 =	sadd.s32 @!p0 $0x100000, s1;
	[bflag:$0x2] =	sbarrier.arrive $0xFFFF  }
0x85: {  	[sflag:s0] =	ssyncadd.tile.s32 @!p0 $0x1;
	_ =	shalt  }
.Lfunc_end2:
_tile_overlayer_lowered:
.L_overlay_start_2:
0x86: {  	(tag) =	ssettag $0x2  }
0x87: {  	s0 =	rddreg [dreg:$0x0];
	s2 =	stileid.u32  }
0x88: {  	s1 =	rddreg [dreg:$0x1];
	p0 =	sne.s32 s2, $0x0  }
0x89: {  	s3 =	rddreg [dreg:$0x2];
	[bflag:$0x3] =	sbarrier.arrive $0xFFFF;
	s2 =	simm.s32 @!p0 $0x1C02  }
0x8a: {  	[timem:s3], [sflag:s2] =	dma.local @!p0 [hbm:s0], s1  }
0x8b: {  	s0 =	simm.s32 @!p0 $0x2  }
0x8c: {  	_ =	swait.ge @!p0 [sflag:s0], s1  }
0x8d: {  	s1 =	ssub.s32 @!p0 $0x0, s1;
	[sflag:s0] =	ssyncset.done @!p0 $0x0  }
0x8e: {  	[sflag:s0] =	ssyncadd.s32 @!p0 s1  }
0x8f: {  	[bflag:$0x3] =	sbarrier.arrive $0xFFFF  }
0x90: {  	_ =	shalt  }

</sc_bundles>
